<compile_context>
chip_gen: v7x
topology: tpu7x:2x2x1
jax: 0.10.2.dev20260603
libtpu: 0.0.44.dev20260713+nightly
codegen_flags: <defaults>
</compile_context>

<pallas_src>
import functools

import jax
import jax.numpy as jnp
from jax import lax
from jax.experimental import pallas as pl
from jax.experimental.pallas import tpu as pltpu
from jax.experimental.pallas import tpu_sc as plsc

N = 10000
E = 320000
F = 128
R = 16

NC = 2
NS = 16
NW = NC * NS
K = 128
CHUNKS = 80
STAGE = 40
E_PAD = NW * CHUNKS * K
ROWS_PER_TILE = 640
N_PAD = NS * ROWS_PER_TILE


def _z_body(feat_ref, w_ref, z_ref):
    z_ref[0] = lax.dot_general(
        feat_ref[...], w_ref[0],
        (((1,), (1,)), ((), ())),
        preferred_element_type=jnp.float32,
    )


def _compute_z(feat, W):
    BN = 1024
    nb = pl.cdiv(N, BN)
    return pl.pallas_call(
        _z_body,
        grid=(nb, R),
        in_specs=[
            pl.BlockSpec((BN, F), lambda i, r: (i, 0)),
            pl.BlockSpec((1, F, F), lambda i, r: (r, 0, 0)),
        ],
        out_specs=pl.BlockSpec((1, BN, F), lambda i, r: (r, i, 0)),
        out_shape=jax.ShapeDtypeStruct((R, N, F), jnp.float32),
    )(feat, W)


_mesh = plsc.VectorSubcoreMesh(core_axis_name="c", subcore_axis_name="s")


@functools.partial(
    pl.kernel,
    mesh=_mesh,
    out_type=jax.ShapeDtypeStruct((NC, N_PAD, F), jnp.float32),
    scratch_types=[
        pltpu.VMEM((STAGE, K), jnp.int32),
        pltpu.VMEM((STAGE, K), jnp.int32),
        pltpu.VMEM((2, K, F), jnp.float32),
        pltpu.VMEM_SHARED((N_PAD, F), jnp.float32),
        pltpu.SemaphoreType.DMA,
        pltpu.SemaphoreType.DMA,
        pltpu.SemaphoreType.DMA,
        pltpu.SemaphoreType.DMA,
    ],
)
def _edge_kernel(z_hbm, gidx_hbm, dst_hbm, out_hbm,
                 gidx_v, dst_v, rows_v, acc_sh, gsem0, gsem1, ssem0, ssem1):
    cid = lax.axis_index("c")
    sid = lax.axis_index("s")
    w = cid * NS + sid

    def _zrow(i, carry):
        for j in range(F // 16):
            rows_v[0, i, pl.ds(j * 16, 16)] = jnp.zeros((16,), jnp.float32)
        return carry
    lax.fori_loop(0, K, _zrow, 0)
    for t in range(ROWS_PER_TILE // K):
        pltpu.sync_copy(
            rows_v.at[0],
            acc_sh.at[pl.ds(sid * ROWS_PER_TILE + t * K, K)],
        )
    plsc.subcore_barrier()

    base = w * CHUNKS
    for p in range(CHUNKS // STAGE):
        pltpu.sync_copy(gidx_hbm.at[pl.ds(base + p * STAGE, STAGE)], gidx_v)
        pltpu.sync_copy(dst_hbm.at[pl.ds(base + p * STAGE, STAGE)], dst_v)

        pltpu.async_copy(z_hbm.at[gidx_v.at[0]], rows_v.at[0], gsem0)
        pltpu.async_copy(z_hbm.at[gidx_v.at[1]], rows_v.at[1], gsem1)

        def _pair(pp, carry):
            i0 = 2 * pp
            i1 = i0 + 1
            pltpu.make_async_copy(
                z_hbm.at[gidx_v.at[i0]], rows_v.at[0], gsem0).wait()
            pltpu.async_copy(
                rows_v.at[0], acc_sh.at[dst_v.at[i0]], ssem0, add=True)
            pltpu.make_async_copy(
                z_hbm.at[gidx_v.at[i1]], rows_v.at[1], gsem1).wait()
            pltpu.async_copy(
                rows_v.at[1], acc_sh.at[dst_v.at[i1]], ssem1, add=True)

            @pl.when(i1 + 1 < STAGE)
            def _refill():
                pltpu.make_async_copy(
                    rows_v.at[0], acc_sh.at[dst_v.at[i0]], ssem0).wait()
                pltpu.async_copy(
                    z_hbm.at[gidx_v.at[i0 + 2]], rows_v.at[0], gsem0)
                pltpu.make_async_copy(
                    rows_v.at[1], acc_sh.at[dst_v.at[i1]], ssem1).wait()
                pltpu.async_copy(
                    z_hbm.at[gidx_v.at[i1 + 2]], rows_v.at[1], gsem1)

            @pl.when(i1 + 1 >= STAGE)
            def _drain():
                pltpu.make_async_copy(
                    rows_v.at[0], acc_sh.at[dst_v.at[i0]], ssem0).wait()
                pltpu.make_async_copy(
                    rows_v.at[1], acc_sh.at[dst_v.at[i1]], ssem1).wait()
            return carry
        lax.fori_loop(0, STAGE // 2, _pair, 0)

    plsc.subcore_barrier()
    pltpu.sync_copy(
        acc_sh.at[pl.ds(sid * ROWS_PER_TILE, ROWS_PER_TILE)],
        out_hbm.at[cid, pl.ds(sid * ROWS_PER_TILE, ROWS_PER_TILE)],
    )


def _add_body(p_ref, y_ref):
    y_ref[...] = p_ref[0] + p_ref[1]


def _combine(partials):
    BN = 1000
    return pl.pallas_call(
        _add_body,
        grid=(N // BN,),
        in_specs=[pl.BlockSpec((NC, BN, F), lambda i: (0, i, 0))],
        out_specs=pl.BlockSpec((BN, F), lambda i: (i, 0)),
        out_shape=jax.ShapeDtypeStruct((N, F), jnp.float32),
    )(partials)


def kernel(feat, edge_index, etypes, W):
    src = edge_index[0]
    dst = edge_index[1]

    z = _compute_z(feat, W).reshape(R * N, F)

    gidx = etypes * N + src
    pad = E_PAD - E
    pad_gidx = jnp.arange(pad, dtype=jnp.int32) % (R * N)
    gidx_p = jnp.concatenate([gidx, pad_gidx]).reshape(NW * CHUNKS, K)
    pad_dst = N + jnp.arange(pad, dtype=jnp.int32) % (N_PAD - N)
    dst_p = jnp.concatenate([dst, pad_dst]).reshape(NW * CHUNKS, K)

    partials = _edge_kernel(z, gidx_p, dst_p)
    return _combine(partials)

# --- scband reference (transcript-rebuilt; emitter-appended) ---
"""Pipeline reference for scband-rel-graph-conv-homo-52690658787906 (READ-ONLY COPY).

The authoritative reference and input builder live on the scoring server;
editing this copy changes nothing except your own understanding.
"""

import jax, jax.numpy as jnp
import numpy as np

N = 10000
E = 320000
IN_FEAT = 128
OUT_FEAT = 128
NUM_RELS = 16


def setup_inputs(seed: int = 0) -> dict:
    key = jax.random.key(seed)
    k1, k2, k3, k4 = jax.random.split(key, 4)
    feat = jax.random.normal(k1, (N, IN_FEAT), dtype=jnp.float32)
    edge_index = jax.random.randint(k2, (2, E), 0, N, dtype=jnp.int32)
    etypes = jax.random.randint(k3, (E,), 0, NUM_RELS, dtype=jnp.int32)
    # learned parameter: per-relation weight W[R, out_feat, in_feat]
    W = jax.random.normal(k4, (NUM_RELS, OUT_FEAT, IN_FEAT), dtype=jnp.float32) * (1.0 / np.sqrt(IN_FEAT))
    return {"feat": feat, "edge_index": edge_index, "etypes": etypes, "W": W}


def reference(feat, edge_index, etypes, W):
    # Original kernel: Y[i, fo] = sum over incoming edges e=(j->i) of W[etype[e], fo, fi] * X[j, fi]
    # Equivalent (by linearity, W[r] constant per relation):
    #   Y = sum_r segment_sum_over_dst( 1[etype==r] * X[src] ) @ W[r].T
    src = edge_index[0]
    dst = edge_index[1]
    xs = jnp.take(feat, src, axis=0)  # [E, IN_FEAT] gather
    y = jnp.zeros((N, OUT_FEAT), dtype=feat.dtype)
    for r in range(NUM_RELS):
        mask = (etypes == r).astype(feat.dtype)[:, None]
        agg = jax.ops.segment_sum(xs * mask, dst, num_segments=N)  # [N, IN_FEAT] scatter-add
        y = y + agg @ W[r].T
    return y

if __name__ == "__main__":
    import jax
    _d = setup_inputs()
    print(jax.jit(kernel)(*tuple(_d.values())))

</pallas_src>

<mosaic_0001>
#map = affine_map<(d0, d1) -> (0, 0)>
#map1 = affine_map<(d0, d1) -> (0, 0, 0)>
module attributes {stable_mosaic.version = 14 : i64} {
  func.func @_edge_kernel(%arg0: i32, %arg1: i32, %arg2: memref<160000x128xf32, #tpu.memory_space<hbm>>, %arg3: memref<2560x128xi32, #tpu.memory_space<hbm>>, %arg4: memref<2560x128xi32, #tpu.memory_space<hbm>>, %arg5: memref<2x10240x128xf32, #tpu.memory_space<hbm>>, %arg6: memref<40x128xi32, #tpu.memory_space<vmem>>, %arg7: memref<40x128xi32, #tpu.memory_space<vmem>>, %arg8: memref<2x128x128xf32, #tpu.memory_space<vmem>>, %arg9: memref<10240x128xf32, #tpu.memory_space<vmem_shared>>, %arg10: memref<!tpu.dma_semaphore, #tpu.memory_space<semaphore_mem>>, %arg11: memref<!tpu.dma_semaphore, #tpu.memory_space<semaphore_mem>>, %arg12: memref<!tpu.dma_semaphore, #tpu.memory_space<semaphore_mem>>, %arg13: memref<!tpu.dma_semaphore, #tpu.memory_space<semaphore_mem>>) attributes {dimension_semantics = [#tpu.dimension_semantics<core_parallel>, #tpu.dimension_semantics<subcore_parallel>], iteration_bounds = array<i64: 2, 16>, scalar_prefetch = 0 : i64, scratch_operands = 8 : i64, tpu.core_type = #tpu.core_type<sc_vector_subcore>, window_params = [{transform_indices = #map}, {transform_indices = #map}, {transform_indices = #map}, {transform_indices = #map1}]} {
    %mul3A = arith.constant 16 : i32
    %mul3A_0 = arith.muli %arg0, %mul3A : i32
    %add3A = arith.addi %mul3A_0, %arg1 : i32
    %scan3A = arith.constant 0 : i32
    %scan3A_1 = arith.constant 0 : i32
    %scan3A_2 = arith.constant 128 : i32
    %scan3A_3 = arith.addi %scan3A_1, %scan3A_2 : i32
    %scan3A_4 = arith.constant 1 : i32
    scf.for %scan3A_104 = %scan3A_1 to %scan3A_3 step %scan3A_4  : i32 {
      %broadcast_in_dim3A = arith.constant 0.000000e+00 : f32
      %broadcast_in_dim3A_105 = vector.broadcast %broadcast_in_dim3A : f32 to vector<16xf32>
      %swap3A = arith.constant 0 : i32
      %swap3A_106 = arith.index_cast %swap3A : i32 to index
      %swap3A_107 = arith.index_cast %scan3A_104 : i32 to index
      %swap3A_108 = arith.constant 0 : index
      %swap3A_109 = tpu.vector_load %arg8[%swap3A_106, %swap3A_107, %swap3A_108] {strides = array<i32>} : memref<2x128x128xf32, #tpu.memory_space<vmem>>, vector<1x1x16xf32>,
      %swap3A_110 = vector.shape_cast %swap3A_109 : vector<1x1x16xf32> to vector<16xf32>
      %swap3A_111 = vector.shape_cast %broadcast_in_dim3A_105 : vector<16xf32> to vector<1x1x16xf32>
      tpu.vector_store %arg8[%swap3A_106, %swap3A_107, %swap3A_108], %swap3A_111 {strides = array<i32>} : memref<2x128x128xf32, #tpu.memory_space<vmem>>, vector<1x1x16xf32>,
      %broadcast_in_dim3A_112 = arith.constant 0.000000e+00 : f32
      %broadcast_in_dim3A_113 = vector.broadcast %broadcast_in_dim3A_112 : f32 to vector<16xf32>
      %swap3A_114 = arith.constant 0 : i32
      %swap3A_115 = arith.index_cast %swap3A_114 : i32 to index
      %swap3A_116 = arith.index_cast %scan3A_104 : i32 to index
      %swap3A_117 = arith.constant 16 : index
      %swap3A_118 = tpu.vector_load %arg8[%swap3A_115, %swap3A_116, %swap3A_117] {strides = array<i32>} : memref<2x128x128xf32, #tpu.memory_space<vmem>>, vector<1x1x16xf32>,
      %swap3A_119 = vector.shape_cast %swap3A_118 : vector<1x1x16xf32> to vector<16xf32>
      %swap3A_120 = vector.shape_cast %broadcast_in_dim3A_113 : vector<16xf32> to vector<1x1x16xf32>
      tpu.vector_store %arg8[%swap3A_115, %swap3A_116, %swap3A_117], %swap3A_120 {strides = array<i32>} : memref<2x128x128xf32, #tpu.memory_space<vmem>>, vector<1x1x16xf32>,
      %broadcast_in_dim3A_121 = arith.constant 0.000000e+00 : f32
      %broadcast_in_dim3A_122 = vector.broadcast %broadcast_in_dim3A_121 : f32 to vector<16xf32>
      %swap3A_123 = arith.constant 0 : i32
      %swap3A_124 = arith.index_cast %swap3A_123 : i32 to index
      %swap3A_125 = arith.index_cast %scan3A_104 : i32 to index
      %swap3A_126 = arith.constant 32 : index
      %swap3A_127 = tpu.vector_load %arg8[%swap3A_124, %swap3A_125, %swap3A_126] {strides = array<i32>} : memref<2x128x128xf32, #tpu.memory_space<vmem>>, vector<1x1x16xf32>,
      %swap3A_128 = vector.shape_cast %swap3A_127 : vector<1x1x16xf32> to vector<16xf32>
      %swap3A_129 = vector.shape_cast %broadcast_in_dim3A_122 : vector<16xf32> to vector<1x1x16xf32>
      tpu.vector_store %arg8[%swap3A_124, %swap3A_125, %swap3A_126], %swap3A_129 {strides = array<i32>} : memref<2x128x128xf32, #tpu.memory_space<vmem>>, vector<1x1x16xf32>,
      %broadcast_in_dim3A_130 = arith.constant 0.000000e+00 : f32
      %broadcast_in_dim3A_131 = vector.broadcast %broadcast_in_dim3A_130 : f32 to vector<16xf32>
      %swap3A_132 = arith.constant 0 : i32
      %swap3A_133 = arith.index_cast %swap3A_132 : i32 to index
      %swap3A_134 = arith.index_cast %scan3A_104 : i32 to index
      %swap3A_135 = arith.constant 48 : index
      %swap3A_136 = tpu.vector_load %arg8[%swap3A_133, %swap3A_134, %swap3A_135] {strides = array<i32>} : memref<2x128x128xf32, #tpu.memory_space<vmem>>, vector<1x1x16xf32>,
      %swap3A_137 = vector.shape_cast %swap3A_136 : vector<1x1x16xf32> to vector<16xf32>
      %swap3A_138 = vector.shape_cast %broadcast_in_dim3A_131 : vector<16xf32> to vector<1x1x16xf32>
      tpu.vector_store %arg8[%swap3A_133, %swap3A_134, %swap3A_135], %swap3A_138 {strides = array<i32>} : memref<2x128x128xf32, #tpu.memory_space<vmem>>, vector<1x1x16xf32>,
      %broadcast_in_dim3A_139 = arith.constant 0.000000e+00 : f32
      %broadcast_in_dim3A_140 = vector.broadcast %broadcast_in_dim3A_139 : f32 to vector<16xf32>
      %swap3A_141 = arith.constant 0 : i32
      %swap3A_142 = arith.index_cast %swap3A_141 : i32 to index
      %swap3A_143 = arith.index_cast %scan3A_104 : i32 to index
      %swap3A_144 = arith.constant 64 : index
      %swap3A_145 = tpu.vector_load %arg8[%swap3A_142, %swap3A_143, %swap3A_144] {strides = array<i32>} : memref<2x128x128xf32, #tpu.memory_space<vmem>>, vector<1x1x16xf32>,
      %swap3A_146 = vector.shape_cast %swap3A_145 : vector<1x1x16xf32> to vector<16xf32>
      %swap3A_147 = vector.shape_cast %broadcast_in_dim3A_140 : vector<16xf32> to vector<1x1x16xf32>
      tpu.vector_store %arg8[%swap3A_142, %swap3A_143, %swap3A_144], %swap3A_147 {strides = array<i32>} : memref<2x128x128xf32, #tpu.memory_space<vmem>>, vector<1x1x16xf32>,
      %broadcast_in_dim3A_148 = arith.constant 0.000000e+00 : f32
      %broadcast_in_dim3A_149 = vector.broadcast %broadcast_in_dim3A_148 : f32 to vector<16xf32>
      %swap3A_150 = arith.constant 0 : i32
      %swap3A_151 = arith.index_cast %swap3A_150 : i32 to index
      %swap3A_152 = arith.index_cast %scan3A_104 : i32 to index
      %swap3A_153 = arith.constant 80 : index
      %swap3A_154 = tpu.vector_load %arg8[%swap3A_151, %swap3A_152, %swap3A_153] {strides = array<i32>} : memref<2x128x128xf32, #tpu.memory_space<vmem>>, vector<1x1x16xf32>,
      %swap3A_155 = vector.shape_cast %swap3A_154 : vector<1x1x16xf32> to vector<16xf32>
      %swap3A_156 = vector.shape_cast %broadcast_in_dim3A_149 : vector<16xf32> to vector<1x1x16xf32>
      tpu.vector_store %arg8[%swap3A_151, %swap3A_152, %swap3A_153], %swap3A_156 {strides = array<i32>} : memref<2x128x128xf32, #tpu.memory_space<vmem>>, vector<1x1x16xf32>,
      %broadcast_in_dim3A_157 = arith.constant 0.000000e+00 : f32
      %broadcast_in_dim3A_158 = vector.broadcast %broadcast_in_dim3A_157 : f32 to vector<16xf32>
      %swap3A_159 = arith.constant 0 : i32
      %swap3A_160 = arith.index_cast %swap3A_159 : i32 to index
      %swap3A_161 = arith.index_cast %scan3A_104 : i32 to index
      %swap3A_162 = arith.constant 96 : index
      %swap3A_163 = tpu.vector_load %arg8[%swap3A_160, %swap3A_161, %swap3A_162] {strides = array<i32>} : memref<2x128x128xf32, #tpu.memory_space<vmem>>, vector<1x1x16xf32>,
      %swap3A_164 = vector.shape_cast %swap3A_163 : vector<1x1x16xf32> to vector<16xf32>
      %swap3A_165 = vector.shape_cast %broadcast_in_dim3A_158 : vector<16xf32> to vector<1x1x16xf32>
      tpu.vector_store %arg8[%swap3A_160, %swap3A_161, %swap3A_162], %swap3A_165 {strides = array<i32>} : memref<2x128x128xf32, #tpu.memory_space<vmem>>, vector<1x1x16xf32>,
      %broadcast_in_dim3A_166 = arith.constant 0.000000e+00 : f32
      %broadcast_in_dim3A_167 = vector.broadcast %broadcast_in_dim3A_166 : f32 to vector<16xf32>
      %swap3A_168 = arith.constant 0 : i32
      %swap3A_169 = arith.index_cast %swap3A_168 : i32 to index
      %swap3A_170 = arith.index_cast %scan3A_104 : i32 to index
      %swap3A_171 = arith.constant 112 : index
      %swap3A_172 = tpu.vector_load %arg8[%swap3A_169, %swap3A_170, %swap3A_171] {strides = array<i32>} : memref<2x128x128xf32, #tpu.memory_space<vmem>>, vector<1x1x16xf32>,
      %swap3A_173 = vector.shape_cast %swap3A_172 : vector<1x1x16xf32> to vector<16xf32>
      %swap3A_174 = vector.shape_cast %broadcast_in_dim3A_167 : vector<16xf32> to vector<1x1x16xf32>
      tpu.vector_store %arg8[%swap3A_169, %swap3A_170, %swap3A_171], %swap3A_174 {strides = array<i32>} : memref<2x128x128xf32, #tpu.memory_space<vmem>>, vector<1x1x16xf32>,
    }
    %scan3A_5 = arith.constant 128 : i32
    %mul3A_6 = arith.constant 640 : i32
    %mul3A_7 = arith.muli %arg1, %mul3A_6 : i32
    %add3A_8 = arith.constant 0 : i32
    %add3A_9 = arith.addi %mul3A_7, %add3A_8 : i32
    %run_scoped3A = arith.constant 0 : i32
    "tpu.region"() ({
      %run_scoped3A_104 = tpu.sem_alloc : memref<!tpu.dma_semaphore, #tpu.memory_space<semaphore_mem>>
      %dma_start3A_105 = arith.constant 0 : i32
      %dma_start3A_106 = arith.constant 0 : i32
      %dma_start3A_107 = tpu.memref_slice %arg8[%run_scoped3A, %dma_start3A_105, %dma_start3A_106] : memref<2x128x128xf32, #tpu.memory_space<vmem>> -> memref<1x128x128xf32, #tpu.memory_space<vmem>>
      %dma_start3A_108 = tpu.memref_squeeze %dma_start3A_107 : memref<1x128x128xf32, #tpu.memory_space<vmem>> -> memref<128x128xf32, #tpu.memory_space<vmem>>
      %dma_start3A_109 = arith.constant 0 : i32
      %dma_start3A_110 = tpu.memref_slice %arg9[%add3A_9, %dma_start3A_109] : memref<10240x128xf32, #tpu.memory_space<vmem_shared>> -> memref<128x128xf32, #tpu.memory_space<vmem_shared>>
      %dma_start3A_111 = arith.constant 0 : i32
      %dma_start3A_112 = tpu.memref_slice %arg9[%add3A_9, %dma_start3A_111] : memref<10240x128xf32, #tpu.memory_space<vmem_shared>> -> memref<128x128xf32, #tpu.memory_space<vmem_shared>>
      %dma_start3A_113 = arith.constant 0 : i32
      %dma_start3A_114 = arith.constant 0 : i32
      %dma_start3A_115 = tpu.memref_slice %arg8[%run_scoped3A, %dma_start3A_113, %dma_start3A_114] : memref<2x128x128xf32, #tpu.memory_space<vmem>> -> memref<1x128x128xf32, #tpu.memory_space<vmem>>
      %dma_start3A_116 = tpu.memref_squeeze %dma_start3A_115 : memref<1x128x128xf32, #tpu.memory_space<vmem>> -> memref<128x128xf32, #tpu.memory_space<vmem>>
      tpu.enqueue_dma source(%dma_start3A_116 : memref<128x128xf32, #tpu.memory_space<vmem>>) target(%dma_start3A_112 : memref<128x128xf32, #tpu.memory_space<vmem_shared>>) target_semaphore(%run_scoped3A_104 : memref<!tpu.dma_semaphore, #tpu.memory_space<semaphore_mem>>)
      %dma_wait3A = arith.constant 0 : i32
      %dma_wait3A_117 = arith.constant 0 : i32
      %dma_wait3A_118 = tpu.memref_slice %arg8[%run_scoped3A, %dma_wait3A, %dma_wait3A_117] : memref<2x128x128xf32, #tpu.memory_space<vmem>> -> memref<1x128x128xf32, #tpu.memory_space<vmem>>
      %dma_wait3A_119 = tpu.memref_squeeze %dma_wait3A_118 : memref<1x128x128xf32, #tpu.memory_space<vmem>> -> memref<128x128xf32, #tpu.memory_space<vmem>>
      %dma_wait3A_120 = arith.constant 0 : i32
      %dma_wait3A_121 = tpu.memref_slice %arg9[%add3A_9, %dma_wait3A_120] : memref<10240x128xf32, #tpu.memory_space<vmem_shared>> -> memref<128x128xf32, #tpu.memory_space<vmem_shared>>
      %dma_wait3A_122 = arith.constant 0 : i32
      %dma_wait3A_123 = tpu.memref_slice %arg9[%add3A_9, %dma_wait3A_122] : memref<10240x128xf32, #tpu.memory_space<vmem_shared>> -> memref<128x128xf32, #tpu.memory_space<vmem_shared>>
      %dma_wait3A_124 = arith.constant 0 : i32
      %dma_wait3A_125 = arith.constant 0 : i32
      %dma_wait3A_126 = tpu.memref_slice %arg8[%run_scoped3A, %dma_wait3A_124, %dma_wait3A_125] : memref<2x128x128xf32, #tpu.memory_space<vmem>> -> memref<1x128x128xf32, #tpu.memory_space<vmem>>
      %dma_wait3A_127 = tpu.memref_squeeze %dma_wait3A_126 : memref<1x128x128xf32, #tpu.memory_space<vmem>> -> memref<128x128xf32, #tpu.memory_space<vmem>>
      tpu.wait_dma2 semaphore(%run_scoped3A_104 : memref<!tpu.dma_semaphore, #tpu.memory_space<semaphore_mem>>) src(%dma_wait3A_127 : memref<128x128xf32, #tpu.memory_space<vmem>>) dst(%dma_wait3A_123 : memref<128x128xf32, #tpu.memory_space<vmem_shared>>)
      tpu.yield
    }) : () -> ()
    %mul3A_10 = arith.constant 640 : i32
    %mul3A_11 = arith.muli %arg1, %mul3A_10 : i32
    %add3A_12 = arith.constant 128 : i32
    %add3A_13 = arith.addi %mul3A_11, %add3A_12 : i32
    %run_scoped3A_14 = arith.constant 0 : i32
    "tpu.region"() ({
      %run_scoped3A_104 = tpu.sem_alloc : memref<!tpu.dma_semaphore, #tpu.memory_space<semaphore_mem>>
      %dma_start3A_105 = arith.constant 0 : i32
      %dma_start3A_106 = arith.constant 0 : i32
      %dma_start3A_107 = tpu.memref_slice %arg8[%run_scoped3A_14, %dma_start3A_105, %dma_start3A_106] : memref<2x128x128xf32, #tpu.memory_space<vmem>> -> memref<1x128x128xf32, #tpu.memory_space<vmem>>
      %dma_start3A_108 = tpu.memref_squeeze %dma_start3A_107 : memref<1x128x128xf32, #tpu.memory_space<vmem>> -> memref<128x128xf32, #tpu.memory_space<vmem>>
      %dma_start3A_109 = arith.constant 0 : i32
      %dma_start3A_110 = tpu.memref_slice %arg9[%add3A_13, %dma_start3A_109] : memref<10240x128xf32, #tpu.memory_space<vmem_shared>> -> memref<128x128xf32, #tpu.memory_space<vmem_shared>>
      %dma_start3A_111 = arith.constant 0 : i32
      %dma_start3A_112 = tpu.memref_slice %arg9[%add3A_13, %dma_start3A_111] : memref<10240x128xf32, #tpu.memory_space<vmem_shared>> -> memref<128x128xf32, #tpu.memory_space<vmem_shared>>
      %dma_start3A_113 = arith.constant 0 : i32
      %dma_start3A_114 = arith.constant 0 : i32
      %dma_start3A_115 = tpu.memref_slice %arg8[%run_scoped3A_14, %dma_start3A_113, %dma_start3A_114] : memref<2x128x128xf32, #tpu.memory_space<vmem>> -> memref<1x128x128xf32, #tpu.memory_space<vmem>>
      %dma_start3A_116 = tpu.memref_squeeze %dma_start3A_115 : memref<1x128x128xf32, #tpu.memory_space<vmem>> -> memref<128x128xf32, #tpu.memory_space<vmem>>
      tpu.enqueue_dma source(%dma_start3A_116 : memref<128x128xf32, #tpu.memory_space<vmem>>) target(%dma_start3A_112 : memref<128x128xf32, #tpu.memory_space<vmem_shared>>) target_semaphore(%run_scoped3A_104 : memref<!tpu.dma_semaphore, #tpu.memory_space<semaphore_mem>>)
      %dma_wait3A = arith.constant 0 : i32
      %dma_wait3A_117 = arith.constant 0 : i32
      %dma_wait3A_118 = tpu.memref_slice %arg8[%run_scoped3A_14, %dma_wait3A, %dma_wait3A_117] : memref<2x128x128xf32, #tpu.memory_space<vmem>> -> memref<1x128x128xf32, #tpu.memory_space<vmem>>
      %dma_wait3A_119 = tpu.memref_squeeze %dma_wait3A_118 : memref<1x128x128xf32, #tpu.memory_space<vmem>> -> memref<128x128xf32, #tpu.memory_space<vmem>>
      %dma_wait3A_120 = arith.constant 0 : i32
      %dma_wait3A_121 = tpu.memref_slice %arg9[%add3A_13, %dma_wait3A_120] : memref<10240x128xf32, #tpu.memory_space<vmem_shared>> -> memref<128x128xf32, #tpu.memory_space<vmem_shared>>
      %dma_wait3A_122 = arith.constant 0 : i32
      %dma_wait3A_123 = tpu.memref_slice %arg9[%add3A_13, %dma_wait3A_122] : memref<10240x128xf32, #tpu.memory_space<vmem_shared>> -> memref<128x128xf32, #tpu.memory_space<vmem_shared>>
      %dma_wait3A_124 = arith.constant 0 : i32
      %dma_wait3A_125 = arith.constant 0 : i32
      %dma_wait3A_126 = tpu.memref_slice %arg8[%run_scoped3A_14, %dma_wait3A_124, %dma_wait3A_125] : memref<2x128x128xf32, #tpu.memory_space<vmem>> -> memref<1x128x128xf32, #tpu.memory_space<vmem>>
      %dma_wait3A_127 = tpu.memref_squeeze %dma_wait3A_126 : memref<1x128x128xf32, #tpu.memory_space<vmem>> -> memref<128x128xf32, #tpu.memory_space<vmem>>
      tpu.wait_dma2 semaphore(%run_scoped3A_104 : memref<!tpu.dma_semaphore, #tpu.memory_space<semaphore_mem>>) src(%dma_wait3A_127 : memref<128x128xf32, #tpu.memory_space<vmem>>) dst(%dma_wait3A_123 : memref<128x128xf32, #tpu.memory_space<vmem_shared>>)
      tpu.yield
    }) : () -> ()
    %mul3A_15 = arith.constant 640 : i32
    %mul3A_16 = arith.muli %arg1, %mul3A_15 : i32
    %add3A_17 = arith.constant 256 : i32
    %add3A_18 = arith.addi %mul3A_16, %add3A_17 : i32
    %run_scoped3A_19 = arith.constant 0 : i32
    "tpu.region"() ({
      %run_scoped3A_104 = tpu.sem_alloc : memref<!tpu.dma_semaphore, #tpu.memory_space<semaphore_mem>>
      %dma_start3A_105 = arith.constant 0 : i32
      %dma_start3A_106 = arith.constant 0 : i32
      %dma_start3A_107 = tpu.memref_slice %arg8[%run_scoped3A_19, %dma_start3A_105, %dma_start3A_106] : memref<2x128x128xf32, #tpu.memory_space<vmem>> -> memref<1x128x128xf32, #tpu.memory_space<vmem>>
      %dma_start3A_108 = tpu.memref_squeeze %dma_start3A_107 : memref<1x128x128xf32, #tpu.memory_space<vmem>> -> memref<128x128xf32, #tpu.memory_space<vmem>>
      %dma_start3A_109 = arith.constant 0 : i32
      %dma_start3A_110 = tpu.memref_slice %arg9[%add3A_18, %dma_start3A_109] : memref<10240x128xf32, #tpu.memory_space<vmem_shared>> -> memref<128x128xf32, #tpu.memory_space<vmem_shared>>
      %dma_start3A_111 = arith.constant 0 : i32
      %dma_start3A_112 = tpu.memref_slice %arg9[%add3A_18, %dma_start3A_111] : memref<10240x128xf32, #tpu.memory_space<vmem_shared>> -> memref<128x128xf32, #tpu.memory_space<vmem_shared>>
      %dma_start3A_113 = arith.constant 0 : i32
      %dma_start3A_114 = arith.constant 0 : i32
      %dma_start3A_115 = tpu.memref_slice %arg8[%run_scoped3A_19, %dma_start3A_113, %dma_start3A_114] : memref<2x128x128xf32, #tpu.memory_space<vmem>> -> memref<1x128x128xf32, #tpu.memory_space<vmem>>
      %dma_start3A_116 = tpu.memref_squeeze %dma_start3A_115 : memref<1x128x128xf32, #tpu.memory_space<vmem>> -> memref<128x128xf32, #tpu.memory_space<vmem>>
      tpu.enqueue_dma source(%dma_start3A_116 : memref<128x128xf32, #tpu.memory_space<vmem>>) target(%dma_start3A_112 : memref<128x128xf32, #tpu.memory_space<vmem_shared>>) target_semaphore(%run_scoped3A_104 : memref<!tpu.dma_semaphore, #tpu.memory_space<semaphore_mem>>)
      %dma_wait3A = arith.constant 0 : i32
      %dma_wait3A_117 = arith.constant 0 : i32
      %dma_wait3A_118 = tpu.memref_slice %arg8[%run_scoped3A_19, %dma_wait3A, %dma_wait3A_117] : memref<2x128x128xf32, #tpu.memory_space<vmem>> -> memref<1x128x128xf32, #tpu.memory_space<vmem>>
      %dma_wait3A_119 = tpu.memref_squeeze %dma_wait3A_118 : memref<1x128x128xf32, #tpu.memory_space<vmem>> -> memref<128x128xf32, #tpu.memory_space<vmem>>
      %dma_wait3A_120 = arith.constant 0 : i32
      %dma_wait3A_121 = tpu.memref_slice %arg9[%add3A_18, %dma_wait3A_120] : memref<10240x128xf32, #tpu.memory_space<vmem_shared>> -> memref<128x128xf32, #tpu.memory_space<vmem_shared>>
      %dma_wait3A_122 = arith.constant 0 : i32
      %dma_wait3A_123 = tpu.memref_slice %arg9[%add3A_18, %dma_wait3A_122] : memref<10240x128xf32, #tpu.memory_space<vmem_shared>> -> memref<128x128xf32, #tpu.memory_space<vmem_shared>>
      %dma_wait3A_124 = arith.constant 0 : i32
      %dma_wait3A_125 = arith.constant 0 : i32
      %dma_wait3A_126 = tpu.memref_slice %arg8[%run_scoped3A_19, %dma_wait3A_124, %dma_wait3A_125] : memref<2x128x128xf32, #tpu.memory_space<vmem>> -> memref<1x128x128xf32, #tpu.memory_space<vmem>>
      %dma_wait3A_127 = tpu.memref_squeeze %dma_wait3A_126 : memref<1x128x128xf32, #tpu.memory_space<vmem>> -> memref<128x128xf32, #tpu.memory_space<vmem>>
      tpu.wait_dma2 semaphore(%run_scoped3A_104 : memref<!tpu.dma_semaphore, #tpu.memory_space<semaphore_mem>>) src(%dma_wait3A_127 : memref<128x128xf32, #tpu.memory_space<vmem>>) dst(%dma_wait3A_123 : memref<128x128xf32, #tpu.memory_space<vmem_shared>>)
      tpu.yield
    }) : () -> ()
    %mul3A_20 = arith.constant 640 : i32
    %mul3A_21 = arith.muli %arg1, %mul3A_20 : i32
    %add3A_22 = arith.constant 384 : i32
    %add3A_23 = arith.addi %mul3A_21, %add3A_22 : i32
    %run_scoped3A_24 = arith.constant 0 : i32
    "tpu.region"() ({
      %run_scoped3A_104 = tpu.sem_alloc : memref<!tpu.dma_semaphore, #tpu.memory_space<semaphore_mem>>
      %dma_start3A_105 = arith.constant 0 : i32
      %dma_start3A_106 = arith.constant 0 : i32
      %dma_start3A_107 = tpu.memref_slice %arg8[%run_scoped3A_24, %dma_start3A_105, %dma_start3A_106] : memref<2x128x128xf32, #tpu.memory_space<vmem>> -> memref<1x128x128xf32, #tpu.memory_space<vmem>>
      %dma_start3A_108 = tpu.memref_squeeze %dma_start3A_107 : memref<1x128x128xf32, #tpu.memory_space<vmem>> -> memref<128x128xf32, #tpu.memory_space<vmem>>
      %dma_start3A_109 = arith.constant 0 : i32
      %dma_start3A_110 = tpu.memref_slice %arg9[%add3A_23, %dma_start3A_109] : memref<10240x128xf32, #tpu.memory_space<vmem_shared>> -> memref<128x128xf32, #tpu.memory_space<vmem_shared>>
      %dma_start3A_111 = arith.constant 0 : i32
      %dma_start3A_112 = tpu.memref_slice %arg9[%add3A_23, %dma_start3A_111] : memref<10240x128xf32, #tpu.memory_space<vmem_shared>> -> memref<128x128xf32, #tpu.memory_space<vmem_shared>>
      %dma_start3A_113 = arith.constant 0 : i32
      %dma_start3A_114 = arith.constant 0 : i32
      %dma_start3A_115 = tpu.memref_slice %arg8[%run_scoped3A_24, %dma_start3A_113, %dma_start3A_114] : memref<2x128x128xf32, #tpu.memory_space<vmem>> -> memref<1x128x128xf32, #tpu.memory_space<vmem>>
      %dma_start3A_116 = tpu.memref_squeeze %dma_start3A_115 : memref<1x128x128xf32, #tpu.memory_space<vmem>> -> memref<128x128xf32, #tpu.memory_space<vmem>>
      tpu.enqueue_dma source(%dma_start3A_116 : memref<128x128xf32, #tpu.memory_space<vmem>>) target(%dma_start3A_112 : memref<128x128xf32, #tpu.memory_space<vmem_shared>>) target_semaphore(%run_scoped3A_104 : memref<!tpu.dma_semaphore, #tpu.memory_space<semaphore_mem>>)
      %dma_wait3A = arith.constant 0 : i32
      %dma_wait3A_117 = arith.constant 0 : i32
      %dma_wait3A_118 = tpu.memref_slice %arg8[%run_scoped3A_24, %dma_wait3A, %dma_wait3A_117] : memref<2x128x128xf32, #tpu.memory_space<vmem>> -> memref<1x128x128xf32, #tpu.memory_space<vmem>>
      %dma_wait3A_119 = tpu.memref_squeeze %dma_wait3A_118 : memref<1x128x128xf32, #tpu.memory_space<vmem>> -> memref<128x128xf32, #tpu.memory_space<vmem>>
      %dma_wait3A_120 = arith.constant 0 : i32
      %dma_wait3A_121 = tpu.memref_slice %arg9[%add3A_23, %dma_wait3A_120] : memref<10240x128xf32, #tpu.memory_space<vmem_shared>> -> memref<128x128xf32, #tpu.memory_space<vmem_shared>>
      %dma_wait3A_122 = arith.constant 0 : i32
      %dma_wait3A_123 = tpu.memref_slice %arg9[%add3A_23, %dma_wait3A_122] : memref<10240x128xf32, #tpu.memory_space<vmem_shared>> -> memref<128x128xf32, #tpu.memory_space<vmem_shared>>
      %dma_wait3A_124 = arith.constant 0 : i32
      %dma_wait3A_125 = arith.constant 0 : i32
      %dma_wait3A_126 = tpu.memref_slice %arg8[%run_scoped3A_24, %dma_wait3A_124, %dma_wait3A_125] : memref<2x128x128xf32, #tpu.memory_space<vmem>> -> memref<1x128x128xf32, #tpu.memory_space<vmem>>
      %dma_wait3A_127 = tpu.memref_squeeze %dma_wait3A_126 : memref<1x128x128xf32, #tpu.memory_space<vmem>> -> memref<128x128xf32, #tpu.memory_space<vmem>>
      tpu.wait_dma2 semaphore(%run_scoped3A_104 : memref<!tpu.dma_semaphore, #tpu.memory_space<semaphore_mem>>) src(%dma_wait3A_127 : memref<128x128xf32, #tpu.memory_space<vmem>>) dst(%dma_wait3A_123 : memref<128x128xf32, #tpu.memory_space<vmem_shared>>)
      tpu.yield
    }) : () -> ()
    %mul3A_25 = arith.constant 640 : i32
    %mul3A_26 = arith.muli %arg1, %mul3A_25 : i32
    %add3A_27 = arith.constant 512 : i32
    %add3A_28 = arith.addi %mul3A_26, %add3A_27 : i32
    %run_scoped3A_29 = arith.constant 0 : i32
    "tpu.region"() ({
      %run_scoped3A_104 = tpu.sem_alloc : memref<!tpu.dma_semaphore, #tpu.memory_space<semaphore_mem>>
      %dma_start3A_105 = arith.constant 0 : i32
      %dma_start3A_106 = arith.constant 0 : i32
      %dma_start3A_107 = tpu.memref_slice %arg8[%run_scoped3A_29, %dma_start3A_105, %dma_start3A_106] : memref<2x128x128xf32, #tpu.memory_space<vmem>> -> memref<1x128x128xf32, #tpu.memory_space<vmem>>
      %dma_start3A_108 = tpu.memref_squeeze %dma_start3A_107 : memref<1x128x128xf32, #tpu.memory_space<vmem>> -> memref<128x128xf32, #tpu.memory_space<vmem>>
      %dma_start3A_109 = arith.constant 0 : i32
      %dma_start3A_110 = tpu.memref_slice %arg9[%add3A_28, %dma_start3A_109] : memref<10240x128xf32, #tpu.memory_space<vmem_shared>> -> memref<128x128xf32, #tpu.memory_space<vmem_shared>>
      %dma_start3A_111 = arith.constant 0 : i32
      %dma_start3A_112 = tpu.memref_slice %arg9[%add3A_28, %dma_start3A_111] : memref<10240x128xf32, #tpu.memory_space<vmem_shared>> -> memref<128x128xf32, #tpu.memory_space<vmem_shared>>
      %dma_start3A_113 = arith.constant 0 : i32
      %dma_start3A_114 = arith.constant 0 : i32
      %dma_start3A_115 = tpu.memref_slice %arg8[%run_scoped3A_29, %dma_start3A_113, %dma_start3A_114] : memref<2x128x128xf32, #tpu.memory_space<vmem>> -> memref<1x128x128xf32, #tpu.memory_space<vmem>>
      %dma_start3A_116 = tpu.memref_squeeze %dma_start3A_115 : memref<1x128x128xf32, #tpu.memory_space<vmem>> -> memref<128x128xf32, #tpu.memory_space<vmem>>
      tpu.enqueue_dma source(%dma_start3A_116 : memref<128x128xf32, #tpu.memory_space<vmem>>) target(%dma_start3A_112 : memref<128x128xf32, #tpu.memory_space<vmem_shared>>) target_semaphore(%run_scoped3A_104 : memref<!tpu.dma_semaphore, #tpu.memory_space<semaphore_mem>>)
      %dma_wait3A = arith.constant 0 : i32
      %dma_wait3A_117 = arith.constant 0 : i32
      %dma_wait3A_118 = tpu.memref_slice %arg8[%run_scoped3A_29, %dma_wait3A, %dma_wait3A_117] : memref<2x128x128xf32, #tpu.memory_space<vmem>> -> memref<1x128x128xf32, #tpu.memory_space<vmem>>
      %dma_wait3A_119 = tpu.memref_squeeze %dma_wait3A_118 : memref<1x128x128xf32, #tpu.memory_space<vmem>> -> memref<128x128xf32, #tpu.memory_space<vmem>>
      %dma_wait3A_120 = arith.constant 0 : i32
      %dma_wait3A_121 = tpu.memref_slice %arg9[%add3A_28, %dma_wait3A_120] : memref<10240x128xf32, #tpu.memory_space<vmem_shared>> -> memref<128x128xf32, #tpu.memory_space<vmem_shared>>
      %dma_wait3A_122 = arith.constant 0 : i32
      %dma_wait3A_123 = tpu.memref_slice %arg9[%add3A_28, %dma_wait3A_122] : memref<10240x128xf32, #tpu.memory_space<vmem_shared>> -> memref<128x128xf32, #tpu.memory_space<vmem_shared>>
      %dma_wait3A_124 = arith.constant 0 : i32
      %dma_wait3A_125 = arith.constant 0 : i32
      %dma_wait3A_126 = tpu.memref_slice %arg8[%run_scoped3A_29, %dma_wait3A_124, %dma_wait3A_125] : memref<2x128x128xf32, #tpu.memory_space<vmem>> -> memref<1x128x128xf32, #tpu.memory_space<vmem>>
      %dma_wait3A_127 = tpu.memref_squeeze %dma_wait3A_126 : memref<1x128x128xf32, #tpu.memory_space<vmem>> -> memref<128x128xf32, #tpu.memory_space<vmem>>
      tpu.wait_dma2 semaphore(%run_scoped3A_104 : memref<!tpu.dma_semaphore, #tpu.memory_space<semaphore_mem>>) src(%dma_wait3A_127 : memref<128x128xf32, #tpu.memory_space<vmem>>) dst(%dma_wait3A_123 : memref<128x128xf32, #tpu.memory_space<vmem_shared>>)
      tpu.yield
    }) : () -> ()
    %barrier3A = arith.constant 0 : index
    tpu.barrier barrier_id(%barrier3A)
    %mul3A_30 = arith.constant 80 : i32
    %mul3A_31 = arith.muli %add3A, %mul3A_30 : i32
    %add3A_32 = arith.constant 0 : i32
    %add3A_33 = arith.addi %mul3A_31, %add3A_32 : i32
    "tpu.region"() ({
      %run_scoped3A_104 = tpu.sem_alloc : memref<!tpu.dma_semaphore, #tpu.memory_space<semaphore_mem>>
      %dma_start3A_105 = arith.constant 0 : i32
      %dma_start3A_106 = tpu.memref_slice %arg3[%add3A_33, %dma_start3A_105] : memref<2560x128xi32, #tpu.memory_space<hbm>> -> memref<40x128xi32, #tpu.memory_space<hbm>>
      %dma_start3A_107 = arith.constant 0 : i32
      %dma_start3A_108 = tpu.memref_slice %arg3[%add3A_33, %dma_start3A_107] : memref<2560x128xi32, #tpu.memory_space<hbm>> -> memref<40x128xi32, #tpu.memory_space<hbm>>
      tpu.enqueue_dma source(%dma_start3A_108 : memref<40x128xi32, #tpu.memory_space<hbm>>) target(%arg6 : memref<40x128xi32, #tpu.memory_space<vmem>>) target_semaphore(%run_scoped3A_104 : memref<!tpu.dma_semaphore, #tpu.memory_space<semaphore_mem>>)
      %dma_wait3A = arith.constant 0 : i32
      %dma_wait3A_109 = tpu.memref_slice %arg3[%add3A_33, %dma_wait3A] : memref<2560x128xi32, #tpu.memory_space<hbm>> -> memref<40x128xi32, #tpu.memory_space<hbm>>
      %dma_wait3A_110 = arith.constant 0 : i32
      %dma_wait3A_111 = tpu.memref_slice %arg3[%add3A_33, %dma_wait3A_110] : memref<2560x128xi32, #tpu.memory_space<hbm>> -> memref<40x128xi32, #tpu.memory_space<hbm>>
      tpu.wait_dma2 semaphore(%run_scoped3A_104 : memref<!tpu.dma_semaphore, #tpu.memory_space<semaphore_mem>>) src(%dma_wait3A_111 : memref<40x128xi32, #tpu.memory_space<hbm>>) dst(%arg6 : memref<40x128xi32, #tpu.memory_space<vmem>>)
      tpu.yield
    }) : () -> ()
    %add3A_34 = arith.constant 0 : i32
    %add3A_35 = arith.addi %mul3A_31, %add3A_34 : i32
    "tpu.region"() ({
      %run_scoped3A_104 = tpu.sem_alloc : memref<!tpu.dma_semaphore, #tpu.memory_space<semaphore_mem>>
      %dma_start3A_105 = arith.constant 0 : i32
      %dma_start3A_106 = tpu.memref_slice %arg4[%add3A_35, %dma_start3A_105] : memref<2560x128xi32, #tpu.memory_space<hbm>> -> memref<40x128xi32, #tpu.memory_space<hbm>>
      %dma_start3A_107 = arith.constant 0 : i32
      %dma_start3A_108 = tpu.memref_slice %arg4[%add3A_35, %dma_start3A_107] : memref<2560x128xi32, #tpu.memory_space<hbm>> -> memref<40x128xi32, #tpu.memory_space<hbm>>
      tpu.enqueue_dma source(%dma_start3A_108 : memref<40x128xi32, #tpu.memory_space<hbm>>) target(%arg7 : memref<40x128xi32, #tpu.memory_space<vmem>>) target_semaphore(%run_scoped3A_104 : memref<!tpu.dma_semaphore, #tpu.memory_space<semaphore_mem>>)
      %dma_wait3A = arith.constant 0 : i32
      %dma_wait3A_109 = tpu.memref_slice %arg4[%add3A_35, %dma_wait3A] : memref<2560x128xi32, #tpu.memory_space<hbm>> -> memref<40x128xi32, #tpu.memory_space<hbm>>
      %dma_wait3A_110 = arith.constant 0 : i32
      %dma_wait3A_111 = tpu.memref_slice %arg4[%add3A_35, %dma_wait3A_110] : memref<2560x128xi32, #tpu.memory_space<hbm>> -> memref<40x128xi32, #tpu.memory_space<hbm>>
      tpu.wait_dma2 semaphore(%run_scoped3A_104 : memref<!tpu.dma_semaphore, #tpu.memory_space<semaphore_mem>>) src(%dma_wait3A_111 : memref<40x128xi32, #tpu.memory_space<hbm>>) dst(%arg7 : memref<40x128xi32, #tpu.memory_space<vmem>>)
      tpu.yield
    }) : () -> ()
    %dma_start3A = arith.constant 0 : i32
    %dma_start3A_36 = arith.constant 0 : i32
    %dma_start3A_37 = arith.constant 0 : i32
    %dma_start3A_38 = arith.constant 0 : i32
    %dma_start3A_39 = tpu.memref_slice %arg8[%dma_start3A_36, %dma_start3A_37, %dma_start3A_38] : memref<2x128x128xf32, #tpu.memory_space<vmem>> -> memref<1x128x128xf32, #tpu.memory_space<vmem>>
    %dma_start3A_40 = tpu.memref_squeeze %dma_start3A_39 : memref<1x128x128xf32, #tpu.memory_space<vmem>> -> memref<128x128xf32, #tpu.memory_space<vmem>>
    %dma_start3A_41 = arith.constant 0 : i32
    %dma_start3A_42 = tpu.memref_slice %arg6[%dma_start3A, %dma_start3A_41] : memref<40x128xi32, #tpu.memory_space<vmem>> -> memref<1x128xi32, #tpu.memory_space<vmem>>
    %dma_start3A_43 = tpu.memref_squeeze %dma_start3A_42 : memref<1x128xi32, #tpu.memory_space<vmem>> -> memref<128xi32, #tpu.memory_space<vmem>>
    %dma_start3A_44 = arith.constant 0 : i32
    %dma_start3A_45 = arith.constant 0 : i32
    %dma_start3A_46 = tpu.memref_slice %arg2[%dma_start3A_44, %dma_start3A_45] : memref<160000x128xf32, #tpu.memory_space<hbm>> -> memref<160000x128xf32, #tpu.memory_space<hbm>>
    tpu.enqueue_indirect_dma source(%dma_start3A_46 : memref<160000x128xf32, #tpu.memory_space<hbm>>) target(%dma_start3A_40 : memref<128x128xf32, #tpu.memory_space<vmem>>) offsets(%dma_start3A_43 : memref<128xi32, #tpu.memory_space<vmem>>) semaphore(%arg10 : memref<!tpu.dma_semaphore, #tpu.memory_space<semaphore_mem>>)
    %dma_start3A_47 = arith.constant 1 : i32
    %dma_start3A_48 = arith.constant 1 : i32
    %dma_start3A_49 = arith.constant 0 : i32
    %dma_start3A_50 = arith.constant 0 : i32
    %dma_start3A_51 = tpu.memref_slice %arg8[%dma_start3A_48, %dma_start3A_49, %dma_start3A_50] : memref<2x128x128xf32, #tpu.memory_space<vmem>> -> memref<1x128x128xf32, #tpu.memory_space<vmem>>
    %dma_start3A_52 = tpu.memref_squeeze %dma_start3A_51 : memref<1x128x128xf32, #tpu.memory_space<vmem>> -> memref<128x128xf32, #tpu.memory_space<vmem>>
    %dma_start3A_53 = arith.constant 0 : i32
    %dma_start3A_54 = tpu.memref_slice %arg6[%dma_start3A_47, %dma_start3A_53] : memref<40x128xi32, #tpu.memory_space<vmem>> -> memref<1x128xi32, #tpu.memory_space<vmem>>
    %dma_start3A_55 = tpu.memref_squeeze %dma_start3A_54 : memref<1x128xi32, #tpu.memory_space<vmem>> -> memref<128xi32, #tpu.memory_space<vmem>>
    %dma_start3A_56 = arith.constant 0 : i32
    %dma_start3A_57 = arith.constant 0 : i32
    %dma_start3A_58 = tpu.memref_slice %arg2[%dma_start3A_56, %dma_start3A_57] : memref<160000x128xf32, #tpu.memory_space<hbm>> -> memref<160000x128xf32, #tpu.memory_space<hbm>>
    tpu.enqueue_indirect_dma source(%dma_start3A_58 : memref<160000x128xf32, #tpu.memory_space<hbm>>) target(%dma_start3A_52 : memref<128x128xf32, #tpu.memory_space<vmem>>) offsets(%dma_start3A_55 : memref<128xi32, #tpu.memory_space<vmem>>) semaphore(%arg11 : memref<!tpu.dma_semaphore, #tpu.memory_space<semaphore_mem>>)
    %scan3A_59 = arith.constant 0 : i32
    %scan3A_60 = arith.constant 0 : i32
    %scan3A_61 = arith.constant 20 : i32
    %scan3A_62 = arith.addi %scan3A_60, %scan3A_61 : i32
    %scan3A_63 = arith.constant 1 : i32
    scf.for %scan3A_104 = %scan3A_60 to %scan3A_62 step %scan3A_63  : i32 {
      %mul3A_105 = arith.constant 2 : i32
      %mul3A_106 = arith.muli %mul3A_105, %scan3A_104 : i32
      %add3A_107 = arith.constant 1 : i32
      %add3A_108 = arith.addi %mul3A_106, %add3A_107 : i32
      %dma_wait3A = arith.constant 0 : i32
      %dma_wait3A_109 = arith.constant 0 : i32
      %dma_wait3A_110 = arith.constant 0 : i32
      %dma_wait3A_111 = tpu.memref_slice %arg8[%dma_wait3A, %dma_wait3A_109, %dma_wait3A_110] : memref<2x128x128xf32, #tpu.memory_space<vmem>> -> memref<1x128x128xf32, #tpu.memory_space<vmem>>
      %dma_wait3A_112 = tpu.memref_squeeze %dma_wait3A_111 : memref<1x128x128xf32, #tpu.memory_space<vmem>> -> memref<128x128xf32, #tpu.memory_space<vmem>>
      %dma_wait3A_113 = arith.constant 0 : i32
      %dma_wait3A_114 = tpu.memref_slice %arg6[%mul3A_106, %dma_wait3A_113] : memref<40x128xi32, #tpu.memory_space<vmem>> -> memref<1x128xi32, #tpu.memory_space<vmem>>
      %dma_wait3A_115 = tpu.memref_squeeze %dma_wait3A_114 : memref<1x128xi32, #tpu.memory_space<vmem>> -> memref<128xi32, #tpu.memory_space<vmem>>
      %dma_wait3A_116 = arith.constant 0 : i32
      %dma_wait3A_117 = arith.constant 0 : i32
      %dma_wait3A_118 = tpu.memref_slice %arg2[%dma_wait3A_116, %dma_wait3A_117] : memref<160000x128xf32, #tpu.memory_space<hbm>> -> memref<160000x128xf32, #tpu.memory_space<hbm>>
      tpu.wait_indirect_dma semaphore(%arg10 : memref<!tpu.dma_semaphore, #tpu.memory_space<semaphore_mem>>) src(%dma_wait3A_118 : memref<160000x128xf32, #tpu.memory_space<hbm>>) dst(%dma_wait3A_112 : memref<128x128xf32, #tpu.memory_space<vmem>>)
      %dma_start3A_119 = arith.constant 0 : i32
      %dma_start3A_120 = arith.constant 0 : i32
      %dma_start3A_121 = arith.constant 0 : i32
      %dma_start3A_122 = tpu.memref_slice %arg8[%dma_start3A_119, %dma_start3A_120, %dma_start3A_121] : memref<2x128x128xf32, #tpu.memory_space<vmem>> -> memref<1x128x128xf32, #tpu.memory_space<vmem>>
      %dma_start3A_123 = tpu.memref_squeeze %dma_start3A_122 : memref<1x128x128xf32, #tpu.memory_space<vmem>> -> memref<128x128xf32, #tpu.memory_space<vmem>>
      %dma_start3A_124 = arith.constant 0 : i32
      %dma_start3A_125 = tpu.memref_slice %arg7[%mul3A_106, %dma_start3A_124] : memref<40x128xi32, #tpu.memory_space<vmem>> -> memref<1x128xi32, #tpu.memory_space<vmem>>
      %dma_start3A_126 = tpu.memref_squeeze %dma_start3A_125 : memref<1x128xi32, #tpu.memory_space<vmem>> -> memref<128xi32, #tpu.memory_space<vmem>>
      %dma_start3A_127 = arith.constant 0 : i32
      %dma_start3A_128 = arith.constant 0 : i32
      %dma_start3A_129 = tpu.memref_slice %arg9[%dma_start3A_127, %dma_start3A_128] : memref<10240x128xf32, #tpu.memory_space<vmem_shared>> -> memref<10240x128xf32, #tpu.memory_space<vmem_shared>>
      tpu.enqueue_indirect_dma source(%dma_start3A_123 : memref<128x128xf32, #tpu.memory_space<vmem>>) target(%dma_start3A_129 : memref<10240x128xf32, #tpu.memory_space<vmem_shared>>) offsets(%dma_start3A_126 : memref<128xi32, #tpu.memory_space<vmem>>) semaphore(%arg12 : memref<!tpu.dma_semaphore, #tpu.memory_space<semaphore_mem>>) {add = true}
      %dma_wait3A_130 = arith.constant 1 : i32
      %dma_wait3A_131 = arith.constant 0 : i32
      %dma_wait3A_132 = arith.constant 0 : i32
      %dma_wait3A_133 = tpu.memref_slice %arg8[%dma_wait3A_130, %dma_wait3A_131, %dma_wait3A_132] : memref<2x128x128xf32, #tpu.memory_space<vmem>> -> memref<1x128x128xf32, #tpu.memory_space<vmem>>
      %dma_wait3A_134 = tpu.memref_squeeze %dma_wait3A_133 : memref<1x128x128xf32, #tpu.memory_space<vmem>> -> memref<128x128xf32, #tpu.memory_space<vmem>>
      %dma_wait3A_135 = arith.constant 0 : i32
      %dma_wait3A_136 = tpu.memref_slice %arg6[%add3A_108, %dma_wait3A_135] : memref<40x128xi32, #tpu.memory_space<vmem>> -> memref<1x128xi32, #tpu.memory_space<vmem>>
      %dma_wait3A_137 = tpu.memref_squeeze %dma_wait3A_136 : memref<1x128xi32, #tpu.memory_space<vmem>> -> memref<128xi32, #tpu.memory_space<vmem>>
      %dma_wait3A_138 = arith.constant 0 : i32
      %dma_wait3A_139 = arith.constant 0 : i32
      %dma_wait3A_140 = tpu.memref_slice %arg2[%dma_wait3A_138, %dma_wait3A_139] : memref<160000x128xf32, #tpu.memory_space<hbm>> -> memref<160000x128xf32, #tpu.memory_space<hbm>>
      tpu.wait_indirect_dma semaphore(%arg11 : memref<!tpu.dma_semaphore, #tpu.memory_space<semaphore_mem>>) src(%dma_wait3A_140 : memref<160000x128xf32, #tpu.memory_space<hbm>>) dst(%dma_wait3A_134 : memref<128x128xf32, #tpu.memory_space<vmem>>)
      %dma_start3A_141 = arith.constant 1 : i32
      %dma_start3A_142 = arith.constant 0 : i32
      %dma_start3A_143 = arith.constant 0 : i32
      %dma_start3A_144 = tpu.memref_slice %arg8[%dma_start3A_141, %dma_start3A_142, %dma_start3A_143] : memref<2x128x128xf32, #tpu.memory_space<vmem>> -> memref<1x128x128xf32, #tpu.memory_space<vmem>>
      %dma_start3A_145 = tpu.memref_squeeze %dma_start3A_144 : memref<1x128x128xf32, #tpu.memory_space<vmem>> -> memref<128x128xf32, #tpu.memory_space<vmem>>
      %dma_start3A_146 = arith.constant 0 : i32
      %dma_start3A_147 = tpu.memref_slice %arg7[%add3A_108, %dma_start3A_146] : memref<40x128xi32, #tpu.memory_space<vmem>> -> memref<1x128xi32, #tpu.memory_space<vmem>>
      %dma_start3A_148 = tpu.memref_squeeze %dma_start3A_147 : memref<1x128xi32, #tpu.memory_space<vmem>> -> memref<128xi32, #tpu.memory_space<vmem>>
      %dma_start3A_149 = arith.constant 0 : i32
      %dma_start3A_150 = arith.constant 0 : i32
      %dma_start3A_151 = tpu.memref_slice %arg9[%dma_start3A_149, %dma_start3A_150] : memref<10240x128xf32, #tpu.memory_space<vmem_shared>> -> memref<10240x128xf32, #tpu.memory_space<vmem_shared>>
      tpu.enqueue_indirect_dma source(%dma_start3A_145 : memref<128x128xf32, #tpu.memory_space<vmem>>) target(%dma_start3A_151 : memref<10240x128xf32, #tpu.memory_space<vmem_shared>>) offsets(%dma_start3A_148 : memref<128xi32, #tpu.memory_space<vmem>>) semaphore(%arg13 : memref<!tpu.dma_semaphore, #tpu.memory_space<semaphore_mem>>) {add = true}
      %add3A_152 = arith.constant 1 : i32
      %add3A_153 = arith.addi %add3A_108, %add3A_152 : i32
      %lt3A = arith.constant 40 : i32
      %lt3A_154 = arith.cmpi slt, %add3A_153, %lt3A : i32
      %convert_element_type3A = arith.extui %lt3A_154 : i1 to i32
      %cond3A = arith.constant 0 : i32
      %cond3A_155 = arith.cmpi ne, %convert_element_type3A, %cond3A : i32
      scf.if %cond3A_155 {
        %dma_wait3A_162 = arith.constant 0 : i32
        %dma_wait3A_163 = arith.constant 0 : i32
        %dma_wait3A_164 = arith.constant 0 : i32
        %dma_wait3A_165 = tpu.memref_slice %arg8[%dma_wait3A_162, %dma_wait3A_163, %dma_wait3A_164] : memref<2x128x128xf32, #tpu.memory_space<vmem>> -> memref<1x128x128xf32, #tpu.memory_space<vmem>>
        %dma_wait3A_166 = tpu.memref_squeeze %dma_wait3A_165 : memref<1x128x128xf32, #tpu.memory_space<vmem>> -> memref<128x128xf32, #tpu.memory_space<vmem>>
        %dma_wait3A_167 = arith.constant 0 : i32
        %dma_wait3A_168 = tpu.memref_slice %arg7[%mul3A_106, %dma_wait3A_167] : memref<40x128xi32, #tpu.memory_space<vmem>> -> memref<1x128xi32, #tpu.memory_space<vmem>>
        %dma_wait3A_169 = tpu.memref_squeeze %dma_wait3A_168 : memref<1x128xi32, #tpu.memory_space<vmem>> -> memref<128xi32, #tpu.memory_space<vmem>>
        %dma_wait3A_170 = arith.constant 0 : i32
        %dma_wait3A_171 = arith.constant 0 : i32
        %dma_wait3A_172 = tpu.memref_slice %arg9[%dma_wait3A_170, %dma_wait3A_171] : memref<10240x128xf32, #tpu.memory_space<vmem_shared>> -> memref<10240x128xf32, #tpu.memory_space<vmem_shared>>
        tpu.wait_indirect_dma semaphore(%arg12 : memref<!tpu.dma_semaphore, #tpu.memory_space<semaphore_mem>>) src(%dma_wait3A_166 : memref<128x128xf32, #tpu.memory_space<vmem>>) dst(%dma_wait3A_172 : memref<10240x128xf32, #tpu.memory_space<vmem_shared>>)
        %add3A_173 = arith.constant 2 : i32
        %add3A_174 = arith.addi %mul3A_106, %add3A_173 : i32
        %dma_start3A_175 = arith.constant 0 : i32
        %dma_start3A_176 = arith.constant 0 : i32
        %dma_start3A_177 = arith.constant 0 : i32
        %dma_start3A_178 = tpu.memref_slice %arg8[%dma_start3A_175, %dma_start3A_176, %dma_start3A_177] : memref<2x128x128xf32, #tpu.memory_space<vmem>> -> memref<1x128x128xf32, #tpu.memory_space<vmem>>
        %dma_start3A_179 = tpu.memref_squeeze %dma_start3A_178 : memref<1x128x128xf32, #tpu.memory_space<vmem>> -> memref<128x128xf32, #tpu.memory_space<vmem>>
        %dma_start3A_180 = arith.constant 0 : i32
        %dma_start3A_181 = tpu.memref_slice %arg6[%add3A_174, %dma_start3A_180] : memref<40x128xi32, #tpu.memory_space<vmem>> -> memref<1x128xi32, #tpu.memory_space<vmem>>
        %dma_start3A_182 = tpu.memref_squeeze %dma_start3A_181 : memref<1x128xi32, #tpu.memory_space<vmem>> -> memref<128xi32, #tpu.memory_space<vmem>>
        %dma_start3A_183 = arith.constant 0 : i32
        %dma_start3A_184 = arith.constant 0 : i32
        %dma_start3A_185 = tpu.memref_slice %arg2[%dma_start3A_183, %dma_start3A_184] : memref<160000x128xf32, #tpu.memory_space<hbm>> -> memref<160000x128xf32, #tpu.memory_space<hbm>>
        tpu.enqueue_indirect_dma source(%dma_start3A_185 : memref<160000x128xf32, #tpu.memory_space<hbm>>) target(%dma_start3A_179 : memref<128x128xf32, #tpu.memory_space<vmem>>) offsets(%dma_start3A_182 : memref<128xi32, #tpu.memory_space<vmem>>) semaphore(%arg10 : memref<!tpu.dma_semaphore, #tpu.memory_space<semaphore_mem>>)
        %dma_wait3A_186 = arith.constant 1 : i32
        %dma_wait3A_187 = arith.constant 0 : i32
        %dma_wait3A_188 = arith.constant 0 : i32
        %dma_wait3A_189 = tpu.memref_slice %arg8[%dma_wait3A_186, %dma_wait3A_187, %dma_wait3A_188] : memref<2x128x128xf32, #tpu.memory_space<vmem>> -> memref<1x128x128xf32, #tpu.memory_space<vmem>>
        %dma_wait3A_190 = tpu.memref_squeeze %dma_wait3A_189 : memref<1x128x128xf32, #tpu.memory_space<vmem>> -> memref<128x128xf32, #tpu.memory_space<vmem>>
        %dma_wait3A_191 = arith.constant 0 : i32
        %dma_wait3A_192 = tpu.memref_slice %arg7[%add3A_108, %dma_wait3A_191] : memref<40x128xi32, #tpu.memory_space<vmem>> -> memref<1x128xi32, #tpu.memory_space<vmem>>
        %dma_wait3A_193 = tpu.memref_squeeze %dma_wait3A_192 : memref<1x128xi32, #tpu.memory_space<vmem>> -> memref<128xi32, #tpu.memory_space<vmem>>
        %dma_wait3A_194 = arith.constant 0 : i32
        %dma_wait3A_195 = arith.constant 0 : i32
        %dma_wait3A_196 = tpu.memref_slice %arg9[%dma_wait3A_194, %dma_wait3A_195] : memref<10240x128xf32, #tpu.memory_space<vmem_shared>> -> memref<10240x128xf32, #tpu.memory_space<vmem_shared>>
        tpu.wait_indirect_dma semaphore(%arg13 : memref<!tpu.dma_semaphore, #tpu.memory_space<semaphore_mem>>) src(%dma_wait3A_190 : memref<128x128xf32, #tpu.memory_space<vmem>>) dst(%dma_wait3A_196 : memref<10240x128xf32, #tpu.memory_space<vmem_shared>>)
        %add3A_197 = arith.constant 2 : i32
        %add3A_198 = arith.addi %add3A_108, %add3A_197 : i32
        %dma_start3A_199 = arith.constant 1 : i32
        %dma_start3A_200 = arith.constant 0 : i32
        %dma_start3A_201 = arith.constant 0 : i32
        %dma_start3A_202 = tpu.memref_slice %arg8[%dma_start3A_199, %dma_start3A_200, %dma_start3A_201] : memref<2x128x128xf32, #tpu.memory_space<vmem>> -> memref<1x128x128xf32, #tpu.memory_space<vmem>>
        %dma_start3A_203 = tpu.memref_squeeze %dma_start3A_202 : memref<1x128x128xf32, #tpu.memory_space<vmem>> -> memref<128x128xf32, #tpu.memory_space<vmem>>
        %dma_start3A_204 = arith.constant 0 : i32
        %dma_start3A_205 = tpu.memref_slice %arg6[%add3A_198, %dma_start3A_204] : memref<40x128xi32, #tpu.memory_space<vmem>> -> memref<1x128xi32, #tpu.memory_space<vmem>>
        %dma_start3A_206 = tpu.memref_squeeze %dma_start3A_205 : memref<1x128xi32, #tpu.memory_space<vmem>> -> memref<128xi32, #tpu.memory_space<vmem>>
        %dma_start3A_207 = arith.constant 0 : i32
        %dma_start3A_208 = arith.constant 0 : i32
        %dma_start3A_209 = tpu.memref_slice %arg2[%dma_start3A_207, %dma_start3A_208] : memref<160000x128xf32, #tpu.memory_space<hbm>> -> memref<160000x128xf32, #tpu.memory_space<hbm>>
        tpu.enqueue_indirect_dma source(%dma_start3A_209 : memref<160000x128xf32, #tpu.memory_space<hbm>>) target(%dma_start3A_203 : memref<128x128xf32, #tpu.memory_space<vmem>>) offsets(%dma_start3A_206 : memref<128xi32, #tpu.memory_space<vmem>>) semaphore(%arg11 : memref<!tpu.dma_semaphore, #tpu.memory_space<semaphore_mem>>)
      } else {
      }
      %add3A_156 = arith.constant 1 : i32
      %add3A_157 = arith.addi %add3A_108, %add3A_156 : i32
      %ge3A = arith.constant 40 : i32
      %ge3A_158 = arith.cmpi sge, %add3A_157, %ge3A : i32
      %convert_element_type3A_159 = arith.extui %ge3A_158 : i1 to i32
      %cond3A_160 = arith.constant 0 : i32
      %cond3A_161 = arith.cmpi ne, %convert_element_type3A_159, %cond3A_160 : i32
      scf.if %cond3A_161 {
        %dma_wait3A_162 = arith.constant 0 : i32
        %dma_wait3A_163 = arith.constant 0 : i32
        %dma_wait3A_164 = arith.constant 0 : i32
        %dma_wait3A_165 = tpu.memref_slice %arg8[%dma_wait3A_162, %dma_wait3A_163, %dma_wait3A_164] : memref<2x128x128xf32, #tpu.memory_space<vmem>> -> memref<1x128x128xf32, #tpu.memory_space<vmem>>
        %dma_wait3A_166 = tpu.memref_squeeze %dma_wait3A_165 : memref<1x128x128xf32, #tpu.memory_space<vmem>> -> memref<128x128xf32, #tpu.memory_space<vmem>>
        %dma_wait3A_167 = arith.constant 0 : i32
        %dma_wait3A_168 = tpu.memref_slice %arg7[%mul3A_106, %dma_wait3A_167] : memref<40x128xi32, #tpu.memory_space<vmem>> -> memref<1x128xi32, #tpu.memory_space<vmem>>
        %dma_wait3A_169 = tpu.memref_squeeze %dma_wait3A_168 : memref<1x128xi32, #tpu.memory_space<vmem>> -> memref<128xi32, #tpu.memory_space<vmem>>
        %dma_wait3A_170 = arith.constant 0 : i32
        %dma_wait3A_171 = arith.constant 0 : i32
        %dma_wait3A_172 = tpu.memref_slice %arg9[%dma_wait3A_170, %dma_wait3A_171] : memref<10240x128xf32, #tpu.memory_space<vmem_shared>> -> memref<10240x128xf32, #tpu.memory_space<vmem_shared>>
        tpu.wait_indirect_dma semaphore(%arg12 : memref<!tpu.dma_semaphore, #tpu.memory_space<semaphore_mem>>) src(%dma_wait3A_166 : memref<128x128xf32, #tpu.memory_space<vmem>>) dst(%dma_wait3A_172 : memref<10240x128xf32, #tpu.memory_space<vmem_shared>>)
        %dma_wait3A_173 = arith.constant 1 : i32
        %dma_wait3A_174 = arith.constant 0 : i32
        %dma_wait3A_175 = arith.constant 0 : i32
        %dma_wait3A_176 = tpu.memref_slice %arg8[%dma_wait3A_173, %dma_wait3A_174, %dma_wait3A_175] : memref<2x128x128xf32, #tpu.memory_space<vmem>> -> memref<1x128x128xf32, #tpu.memory_space<vmem>>
        %dma_wait3A_177 = tpu.memref_squeeze %dma_wait3A_176 : memref<1x128x128xf32, #tpu.memory_space<vmem>> -> memref<128x128xf32, #tpu.memory_space<vmem>>
        %dma_wait3A_178 = arith.constant 0 : i32
        %dma_wait3A_179 = tpu.memref_slice %arg7[%add3A_108, %dma_wait3A_178] : memref<40x128xi32, #tpu.memory_space<vmem>> -> memref<1x128xi32, #tpu.memory_space<vmem>>
        %dma_wait3A_180 = tpu.memref_squeeze %dma_wait3A_179 : memref<1x128xi32, #tpu.memory_space<vmem>> -> memref<128xi32, #tpu.memory_space<vmem>>
        %dma_wait3A_181 = arith.constant 0 : i32
        %dma_wait3A_182 = arith.constant 0 : i32
        %dma_wait3A_183 = tpu.memref_slice %arg9[%dma_wait3A_181, %dma_wait3A_182] : memref<10240x128xf32, #tpu.memory_space<vmem_shared>> -> memref<10240x128xf32, #tpu.memory_space<vmem_shared>>
        tpu.wait_indirect_dma semaphore(%arg13 : memref<!tpu.dma_semaphore, #tpu.memory_space<semaphore_mem>>) src(%dma_wait3A_177 : memref<128x128xf32, #tpu.memory_space<vmem>>) dst(%dma_wait3A_183 : memref<10240x128xf32, #tpu.memory_space<vmem_shared>>)
      } else {
      }
    }
    %scan3A_64 = arith.constant 20 : i32
    %add3A_65 = arith.constant 40 : i32
    %add3A_66 = arith.addi %mul3A_31, %add3A_65 : i32
    "tpu.region"() ({
      %run_scoped3A_104 = tpu.sem_alloc : memref<!tpu.dma_semaphore, #tpu.memory_space<semaphore_mem>>
      %dma_start3A_105 = arith.constant 0 : i32
      %dma_start3A_106 = tpu.memref_slice %arg3[%add3A_66, %dma_start3A_105] : memref<2560x128xi32, #tpu.memory_space<hbm>> -> memref<40x128xi32, #tpu.memory_space<hbm>>
      %dma_start3A_107 = arith.constant 0 : i32
      %dma_start3A_108 = tpu.memref_slice %arg3[%add3A_66, %dma_start3A_107] : memref<2560x128xi32, #tpu.memory_space<hbm>> -> memref<40x128xi32, #tpu.memory_space<hbm>>
      tpu.enqueue_dma source(%dma_start3A_108 : memref<40x128xi32, #tpu.memory_space<hbm>>) target(%arg6 : memref<40x128xi32, #tpu.memory_space<vmem>>) target_semaphore(%run_scoped3A_104 : memref<!tpu.dma_semaphore, #tpu.memory_space<semaphore_mem>>)
      %dma_wait3A = arith.constant 0 : i32
      %dma_wait3A_109 = tpu.memref_slice %arg3[%add3A_66, %dma_wait3A] : memref<2560x128xi32, #tpu.memory_space<hbm>> -> memref<40x128xi32, #tpu.memory_space<hbm>>
      %dma_wait3A_110 = arith.constant 0 : i32
      %dma_wait3A_111 = tpu.memref_slice %arg3[%add3A_66, %dma_wait3A_110] : memref<2560x128xi32, #tpu.memory_space<hbm>> -> memref<40x128xi32, #tpu.memory_space<hbm>>
      tpu.wait_dma2 semaphore(%run_scoped3A_104 : memref<!tpu.dma_semaphore, #tpu.memory_space<semaphore_mem>>) src(%dma_wait3A_111 : memref<40x128xi32, #tpu.memory_space<hbm>>) dst(%arg6 : memref<40x128xi32, #tpu.memory_space<vmem>>)
      tpu.yield
    }) : () -> ()
    %add3A_67 = arith.constant 40 : i32
    %add3A_68 = arith.addi %mul3A_31, %add3A_67 : i32
    "tpu.region"() ({
      %run_scoped3A_104 = tpu.sem_alloc : memref<!tpu.dma_semaphore, #tpu.memory_space<semaphore_mem>>
      %dma_start3A_105 = arith.constant 0 : i32
      %dma_start3A_106 = tpu.memref_slice %arg4[%add3A_68, %dma_start3A_105] : memref<2560x128xi32, #tpu.memory_space<hbm>> -> memref<40x128xi32, #tpu.memory_space<hbm>>
      %dma_start3A_107 = arith.constant 0 : i32
      %dma_start3A_108 = tpu.memref_slice %arg4[%add3A_68, %dma_start3A_107] : memref<2560x128xi32, #tpu.memory_space<hbm>> -> memref<40x128xi32, #tpu.memory_space<hbm>>
      tpu.enqueue_dma source(%dma_start3A_108 : memref<40x128xi32, #tpu.memory_space<hbm>>) target(%arg7 : memref<40x128xi32, #tpu.memory_space<vmem>>) target_semaphore(%run_scoped3A_104 : memref<!tpu.dma_semaphore, #tpu.memory_space<semaphore_mem>>)
      %dma_wait3A = arith.constant 0 : i32
      %dma_wait3A_109 = tpu.memref_slice %arg4[%add3A_68, %dma_wait3A] : memref<2560x128xi32, #tpu.memory_space<hbm>> -> memref<40x128xi32, #tpu.memory_space<hbm>>
      %dma_wait3A_110 = arith.constant 0 : i32
      %dma_wait3A_111 = tpu.memref_slice %arg4[%add3A_68, %dma_wait3A_110] : memref<2560x128xi32, #tpu.memory_space<hbm>> -> memref<40x128xi32, #tpu.memory_space<hbm>>
      tpu.wait_dma2 semaphore(%run_scoped3A_104 : memref<!tpu.dma_semaphore, #tpu.memory_space<semaphore_mem>>) src(%dma_wait3A_111 : memref<40x128xi32, #tpu.memory_space<hbm>>) dst(%arg7 : memref<40x128xi32, #tpu.memory_space<vmem>>)
      tpu.yield
    }) : () -> ()
    %dma_start3A_69 = arith.constant 0 : i32
    %dma_start3A_70 = arith.constant 0 : i32
    %dma_start3A_71 = arith.constant 0 : i32
    %dma_start3A_72 = arith.constant 0 : i32
    %dma_start3A_73 = tpu.memref_slice %arg8[%dma_start3A_70, %dma_start3A_71, %dma_start3A_72] : memref<2x128x128xf32, #tpu.memory_space<vmem>> -> memref<1x128x128xf32, #tpu.memory_space<vmem>>
    %dma_start3A_74 = tpu.memref_squeeze %dma_start3A_73 : memref<1x128x128xf32, #tpu.memory_space<vmem>> -> memref<128x128xf32, #tpu.memory_space<vmem>>
    %dma_start3A_75 = arith.constant 0 : i32
    %dma_start3A_76 = tpu.memref_slice %arg6[%dma_start3A_69, %dma_start3A_75] : memref<40x128xi32, #tpu.memory_space<vmem>> -> memref<1x128xi32, #tpu.memory_space<vmem>>
    %dma_start3A_77 = tpu.memref_squeeze %dma_start3A_76 : memref<1x128xi32, #tpu.memory_space<vmem>> -> memref<128xi32, #tpu.memory_space<vmem>>
    %dma_start3A_78 = arith.constant 0 : i32
    %dma_start3A_79 = arith.constant 0 : i32
    %dma_start3A_80 = tpu.memref_slice %arg2[%dma_start3A_78, %dma_start3A_79] : memref<160000x128xf32, #tpu.memory_space<hbm>> -> memref<160000x128xf32, #tpu.memory_space<hbm>>
    tpu.enqueue_indirect_dma source(%dma_start3A_80 : memref<160000x128xf32, #tpu.memory_space<hbm>>) target(%dma_start3A_74 : memref<128x128xf32, #tpu.memory_space<vmem>>) offsets(%dma_start3A_77 : memref<128xi32, #tpu.memory_space<vmem>>) semaphore(%arg10 : memref<!tpu.dma_semaphore, #tpu.memory_space<semaphore_mem>>)
    %dma_start3A_81 = arith.constant 1 : i32
    %dma_start3A_82 = arith.constant 1 : i32
    %dma_start3A_83 = arith.constant 0 : i32
    %dma_start3A_84 = arith.constant 0 : i32
    %dma_start3A_85 = tpu.memref_slice %arg8[%dma_start3A_82, %dma_start3A_83, %dma_start3A_84] : memref<2x128x128xf32, #tpu.memory_space<vmem>> -> memref<1x128x128xf32, #tpu.memory_space<vmem>>
    %dma_start3A_86 = tpu.memref_squeeze %dma_start3A_85 : memref<1x128x128xf32, #tpu.memory_space<vmem>> -> memref<128x128xf32, #tpu.memory_space<vmem>>
    %dma_start3A_87 = arith.constant 0 : i32
    %dma_start3A_88 = tpu.memref_slice %arg6[%dma_start3A_81, %dma_start3A_87] : memref<40x128xi32, #tpu.memory_space<vmem>> -> memref<1x128xi32, #tpu.memory_space<vmem>>
    %dma_start3A_89 = tpu.memref_squeeze %dma_start3A_88 : memref<1x128xi32, #tpu.memory_space<vmem>> -> memref<128xi32, #tpu.memory_space<vmem>>
    %dma_start3A_90 = arith.constant 0 : i32
    %dma_start3A_91 = arith.constant 0 : i32
    %dma_start3A_92 = tpu.memref_slice %arg2[%dma_start3A_90, %dma_start3A_91] : memref<160000x128xf32, #tpu.memory_space<hbm>> -> memref<160000x128xf32, #tpu.memory_space<hbm>>
    tpu.enqueue_indirect_dma source(%dma_start3A_92 : memref<160000x128xf32, #tpu.memory_space<hbm>>) target(%dma_start3A_86 : memref<128x128xf32, #tpu.memory_space<vmem>>) offsets(%dma_start3A_89 : memref<128xi32, #tpu.memory_space<vmem>>) semaphore(%arg11 : memref<!tpu.dma_semaphore, #tpu.memory_space<semaphore_mem>>)
    %scan3A_93 = arith.constant 0 : i32
    %scan3A_94 = arith.constant 0 : i32
    %scan3A_95 = arith.constant 20 : i32
    %scan3A_96 = arith.addi %scan3A_94, %scan3A_95 : i32
    %scan3A_97 = arith.constant 1 : i32
    scf.for %scan3A_104 = %scan3A_94 to %scan3A_96 step %scan3A_97  : i32 {
      %mul3A_105 = arith.constant 2 : i32
      %mul3A_106 = arith.muli %mul3A_105, %scan3A_104 : i32
      %add3A_107 = arith.constant 1 : i32
      %add3A_108 = arith.addi %mul3A_106, %add3A_107 : i32
      %dma_wait3A = arith.constant 0 : i32
      %dma_wait3A_109 = arith.constant 0 : i32
      %dma_wait3A_110 = arith.constant 0 : i32
      %dma_wait3A_111 = tpu.memref_slice %arg8[%dma_wait3A, %dma_wait3A_109, %dma_wait3A_110] : memref<2x128x128xf32, #tpu.memory_space<vmem>> -> memref<1x128x128xf32, #tpu.memory_space<vmem>>
      %dma_wait3A_112 = tpu.memref_squeeze %dma_wait3A_111 : memref<1x128x128xf32, #tpu.memory_space<vmem>> -> memref<128x128xf32, #tpu.memory_space<vmem>>
      %dma_wait3A_113 = arith.constant 0 : i32
      %dma_wait3A_114 = tpu.memref_slice %arg6[%mul3A_106, %dma_wait3A_113] : memref<40x128xi32, #tpu.memory_space<vmem>> -> memref<1x128xi32, #tpu.memory_space<vmem>>
      %dma_wait3A_115 = tpu.memref_squeeze %dma_wait3A_114 : memref<1x128xi32, #tpu.memory_space<vmem>> -> memref<128xi32, #tpu.memory_space<vmem>>
      %dma_wait3A_116 = arith.constant 0 : i32
      %dma_wait3A_117 = arith.constant 0 : i32
      %dma_wait3A_118 = tpu.memref_slice %arg2[%dma_wait3A_116, %dma_wait3A_117] : memref<160000x128xf32, #tpu.memory_space<hbm>> -> memref<160000x128xf32, #tpu.memory_space<hbm>>
      tpu.wait_indirect_dma semaphore(%arg10 : memref<!tpu.dma_semaphore, #tpu.memory_space<semaphore_mem>>) src(%dma_wait3A_118 : memref<160000x128xf32, #tpu.memory_space<hbm>>) dst(%dma_wait3A_112 : memref<128x128xf32, #tpu.memory_space<vmem>>)
      %dma_start3A_119 = arith.constant 0 : i32
      %dma_start3A_120 = arith.constant 0 : i32
      %dma_start3A_121 = arith.constant 0 : i32
      %dma_start3A_122 = tpu.memref_slice %arg8[%dma_start3A_119, %dma_start3A_120, %dma_start3A_121] : memref<2x128x128xf32, #tpu.memory_space<vmem>> -> memref<1x128x128xf32, #tpu.memory_space<vmem>>
      %dma_start3A_123 = tpu.memref_squeeze %dma_start3A_122 : memref<1x128x128xf32, #tpu.memory_space<vmem>> -> memref<128x128xf32, #tpu.memory_space<vmem>>
      %dma_start3A_124 = arith.constant 0 : i32
      %dma_start3A_125 = tpu.memref_slice %arg7[%mul3A_106, %dma_start3A_124] : memref<40x128xi32, #tpu.memory_space<vmem>> -> memref<1x128xi32, #tpu.memory_space<vmem>>
      %dma_start3A_126 = tpu.memref_squeeze %dma_start3A_125 : memref<1x128xi32, #tpu.memory_space<vmem>> -> memref<128xi32, #tpu.memory_space<vmem>>
      %dma_start3A_127 = arith.constant 0 : i32
      %dma_start3A_128 = arith.constant 0 : i32
      %dma_start3A_129 = tpu.memref_slice %arg9[%dma_start3A_127, %dma_start3A_128] : memref<10240x128xf32, #tpu.memory_space<vmem_shared>> -> memref<10240x128xf32, #tpu.memory_space<vmem_shared>>
      tpu.enqueue_indirect_dma source(%dma_start3A_123 : memref<128x128xf32, #tpu.memory_space<vmem>>) target(%dma_start3A_129 : memref<10240x128xf32, #tpu.memory_space<vmem_shared>>) offsets(%dma_start3A_126 : memref<128xi32, #tpu.memory_space<vmem>>) semaphore(%arg12 : memref<!tpu.dma_semaphore, #tpu.memory_space<semaphore_mem>>) {add = true}
      %dma_wait3A_130 = arith.constant 1 : i32
      %dma_wait3A_131 = arith.constant 0 : i32
      %dma_wait3A_132 = arith.constant 0 : i32
      %dma_wait3A_133 = tpu.memref_slice %arg8[%dma_wait3A_130, %dma_wait3A_131, %dma_wait3A_132] : memref<2x128x128xf32, #tpu.memory_space<vmem>> -> memref<1x128x128xf32, #tpu.memory_space<vmem>>
      %dma_wait3A_134 = tpu.memref_squeeze %dma_wait3A_133 : memref<1x128x128xf32, #tpu.memory_space<vmem>> -> memref<128x128xf32, #tpu.memory_space<vmem>>
      %dma_wait3A_135 = arith.constant 0 : i32
      %dma_wait3A_136 = tpu.memref_slice %arg6[%add3A_108, %dma_wait3A_135] : memref<40x128xi32, #tpu.memory_space<vmem>> -> memref<1x128xi32, #tpu.memory_space<vmem>>
      %dma_wait3A_137 = tpu.memref_squeeze %dma_wait3A_136 : memref<1x128xi32, #tpu.memory_space<vmem>> -> memref<128xi32, #tpu.memory_space<vmem>>
      %dma_wait3A_138 = arith.constant 0 : i32
      %dma_wait3A_139 = arith.constant 0 : i32
      %dma_wait3A_140 = tpu.memref_slice %arg2[%dma_wait3A_138, %dma_wait3A_139] : memref<160000x128xf32, #tpu.memory_space<hbm>> -> memref<160000x128xf32, #tpu.memory_space<hbm>>
      tpu.wait_indirect_dma semaphore(%arg11 : memref<!tpu.dma_semaphore, #tpu.memory_space<semaphore_mem>>) src(%dma_wait3A_140 : memref<160000x128xf32, #tpu.memory_space<hbm>>) dst(%dma_wait3A_134 : memref<128x128xf32, #tpu.memory_space<vmem>>)
      %dma_start3A_141 = arith.constant 1 : i32
      %dma_start3A_142 = arith.constant 0 : i32
      %dma_start3A_143 = arith.constant 0 : i32
      %dma_start3A_144 = tpu.memref_slice %arg8[%dma_start3A_141, %dma_start3A_142, %dma_start3A_143] : memref<2x128x128xf32, #tpu.memory_space<vmem>> -> memref<1x128x128xf32, #tpu.memory_space<vmem>>
      %dma_start3A_145 = tpu.memref_squeeze %dma_start3A_144 : memref<1x128x128xf32, #tpu.memory_space<vmem>> -> memref<128x128xf32, #tpu.memory_space<vmem>>
      %dma_start3A_146 = arith.constant 0 : i32
      %dma_start3A_147 = tpu.memref_slice %arg7[%add3A_108, %dma_start3A_146] : memref<40x128xi32, #tpu.memory_space<vmem>> -> memref<1x128xi32, #tpu.memory_space<vmem>>
      %dma_start3A_148 = tpu.memref_squeeze %dma_start3A_147 : memref<1x128xi32, #tpu.memory_space<vmem>> -> memref<128xi32, #tpu.memory_space<vmem>>
      %dma_start3A_149 = arith.constant 0 : i32
      %dma_start3A_150 = arith.constant 0 : i32
      %dma_start3A_151 = tpu.memref_slice %arg9[%dma_start3A_149, %dma_start3A_150] : memref<10240x128xf32, #tpu.memory_space<vmem_shared>> -> memref<10240x128xf32, #tpu.memory_space<vmem_shared>>
      tpu.enqueue_indirect_dma source(%dma_start3A_145 : memref<128x128xf32, #tpu.memory_space<vmem>>) target(%dma_start3A_151 : memref<10240x128xf32, #tpu.memory_space<vmem_shared>>) offsets(%dma_start3A_148 : memref<128xi32, #tpu.memory_space<vmem>>) semaphore(%arg13 : memref<!tpu.dma_semaphore, #tpu.memory_space<semaphore_mem>>) {add = true}
      %add3A_152 = arith.constant 1 : i32
      %add3A_153 = arith.addi %add3A_108, %add3A_152 : i32
      %lt3A = arith.constant 40 : i32
      %lt3A_154 = arith.cmpi slt, %add3A_153, %lt3A : i32
      %convert_element_type3A = arith.extui %lt3A_154 : i1 to i32
      %cond3A = arith.constant 0 : i32
      %cond3A_155 = arith.cmpi ne, %convert_element_type3A, %cond3A : i32
      scf.if %cond3A_155 {
        %dma_wait3A_162 = arith.constant 0 : i32
        %dma_wait3A_163 = arith.constant 0 : i32
        %dma_wait3A_164 = arith.constant 0 : i32
        %dma_wait3A_165 = tpu.memref_slice %arg8[%dma_wait3A_162, %dma_wait3A_163, %dma_wait3A_164] : memref<2x128x128xf32, #tpu.memory_space<vmem>> -> memref<1x128x128xf32, #tpu.memory_space<vmem>>
        %dma_wait3A_166 = tpu.memref_squeeze %dma_wait3A_165 : memref<1x128x128xf32, #tpu.memory_space<vmem>> -> memref<128x128xf32, #tpu.memory_space<vmem>>
        %dma_wait3A_167 = arith.constant 0 : i32
        %dma_wait3A_168 = tpu.memref_slice %arg7[%mul3A_106, %dma_wait3A_167] : memref<40x128xi32, #tpu.memory_space<vmem>> -> memref<1x128xi32, #tpu.memory_space<vmem>>
        %dma_wait3A_169 = tpu.memref_squeeze %dma_wait3A_168 : memref<1x128xi32, #tpu.memory_space<vmem>> -> memref<128xi32, #tpu.memory_space<vmem>>
        %dma_wait3A_170 = arith.constant 0 : i32
        %dma_wait3A_171 = arith.constant 0 : i32
        %dma_wait3A_172 = tpu.memref_slice %arg9[%dma_wait3A_170, %dma_wait3A_171] : memref<10240x128xf32, #tpu.memory_space<vmem_shared>> -> memref<10240x128xf32, #tpu.memory_space<vmem_shared>>
        tpu.wait_indirect_dma semaphore(%arg12 : memref<!tpu.dma_semaphore, #tpu.memory_space<semaphore_mem>>) src(%dma_wait3A_166 : memref<128x128xf32, #tpu.memory_space<vmem>>) dst(%dma_wait3A_172 : memref<10240x128xf32, #tpu.memory_space<vmem_shared>>)
        %add3A_173 = arith.constant 2 : i32
        %add3A_174 = arith.addi %mul3A_106, %add3A_173 : i32
        %dma_start3A_175 = arith.constant 0 : i32
        %dma_start3A_176 = arith.constant 0 : i32
        %dma_start3A_177 = arith.constant 0 : i32
        %dma_start3A_178 = tpu.memref_slice %arg8[%dma_start3A_175, %dma_start3A_176, %dma_start3A_177] : memref<2x128x128xf32, #tpu.memory_space<vmem>> -> memref<1x128x128xf32, #tpu.memory_space<vmem>>
        %dma_start3A_179 = tpu.memref_squeeze %dma_start3A_178 : memref<1x128x128xf32, #tpu.memory_space<vmem>> -> memref<128x128xf32, #tpu.memory_space<vmem>>
        %dma_start3A_180 = arith.constant 0 : i32
        %dma_start3A_181 = tpu.memref_slice %arg6[%add3A_174, %dma_start3A_180] : memref<40x128xi32, #tpu.memory_space<vmem>> -> memref<1x128xi32, #tpu.memory_space<vmem>>
        %dma_start3A_182 = tpu.memref_squeeze %dma_start3A_181 : memref<1x128xi32, #tpu.memory_space<vmem>> -> memref<128xi32, #tpu.memory_space<vmem>>
        %dma_start3A_183 = arith.constant 0 : i32
        %dma_start3A_184 = arith.constant 0 : i32
        %dma_start3A_185 = tpu.memref_slice %arg2[%dma_start3A_183, %dma_start3A_184] : memref<160000x128xf32, #tpu.memory_space<hbm>> -> memref<160000x128xf32, #tpu.memory_space<hbm>>
        tpu.enqueue_indirect_dma source(%dma_start3A_185 : memref<160000x128xf32, #tpu.memory_space<hbm>>) target(%dma_start3A_179 : memref<128x128xf32, #tpu.memory_space<vmem>>) offsets(%dma_start3A_182 : memref<128xi32, #tpu.memory_space<vmem>>) semaphore(%arg10 : memref<!tpu.dma_semaphore, #tpu.memory_space<semaphore_mem>>)
        %dma_wait3A_186 = arith.constant 1 : i32
        %dma_wait3A_187 = arith.constant 0 : i32
        %dma_wait3A_188 = arith.constant 0 : i32
        %dma_wait3A_189 = tpu.memref_slice %arg8[%dma_wait3A_186, %dma_wait3A_187, %dma_wait3A_188] : memref<2x128x128xf32, #tpu.memory_space<vmem>> -> memref<1x128x128xf32, #tpu.memory_space<vmem>>
        %dma_wait3A_190 = tpu.memref_squeeze %dma_wait3A_189 : memref<1x128x128xf32, #tpu.memory_space<vmem>> -> memref<128x128xf32, #tpu.memory_space<vmem>>
        %dma_wait3A_191 = arith.constant 0 : i32
        %dma_wait3A_192 = tpu.memref_slice %arg7[%add3A_108, %dma_wait3A_191] : memref<40x128xi32, #tpu.memory_space<vmem>> -> memref<1x128xi32, #tpu.memory_space<vmem>>
        %dma_wait3A_193 = tpu.memref_squeeze %dma_wait3A_192 : memref<1x128xi32, #tpu.memory_space<vmem>> -> memref<128xi32, #tpu.memory_space<vmem>>
        %dma_wait3A_194 = arith.constant 0 : i32
        %dma_wait3A_195 = arith.constant 0 : i32
        %dma_wait3A_196 = tpu.memref_slice %arg9[%dma_wait3A_194, %dma_wait3A_195] : memref<10240x128xf32, #tpu.memory_space<vmem_shared>> -> memref<10240x128xf32, #tpu.memory_space<vmem_shared>>
        tpu.wait_indirect_dma semaphore(%arg13 : memref<!tpu.dma_semaphore, #tpu.memory_space<semaphore_mem>>) src(%dma_wait3A_190 : memref<128x128xf32, #tpu.memory_space<vmem>>) dst(%dma_wait3A_196 : memref<10240x128xf32, #tpu.memory_space<vmem_shared>>)
        %add3A_197 = arith.constant 2 : i32
        %add3A_198 = arith.addi %add3A_108, %add3A_197 : i32
        %dma_start3A_199 = arith.constant 1 : i32
        %dma_start3A_200 = arith.constant 0 : i32
        %dma_start3A_201 = arith.constant 0 : i32
        %dma_start3A_202 = tpu.memref_slice %arg8[%dma_start3A_199, %dma_start3A_200, %dma_start3A_201] : memref<2x128x128xf32, #tpu.memory_space<vmem>> -> memref<1x128x128xf32, #tpu.memory_space<vmem>>
        %dma_start3A_203 = tpu.memref_squeeze %dma_start3A_202 : memref<1x128x128xf32, #tpu.memory_space<vmem>> -> memref<128x128xf32, #tpu.memory_space<vmem>>
        %dma_start3A_204 = arith.constant 0 : i32
        %dma_start3A_205 = tpu.memref_slice %arg6[%add3A_198, %dma_start3A_204] : memref<40x128xi32, #tpu.memory_space<vmem>> -> memref<1x128xi32, #tpu.memory_space<vmem>>
        %dma_start3A_206 = tpu.memref_squeeze %dma_start3A_205 : memref<1x128xi32, #tpu.memory_space<vmem>> -> memref<128xi32, #tpu.memory_space<vmem>>
        %dma_start3A_207 = arith.constant 0 : i32
        %dma_start3A_208 = arith.constant 0 : i32
        %dma_start3A_209 = tpu.memref_slice %arg2[%dma_start3A_207, %dma_start3A_208] : memref<160000x128xf32, #tpu.memory_space<hbm>> -> memref<160000x128xf32, #tpu.memory_space<hbm>>
        tpu.enqueue_indirect_dma source(%dma_start3A_209 : memref<160000x128xf32, #tpu.memory_space<hbm>>) target(%dma_start3A_203 : memref<128x128xf32, #tpu.memory_space<vmem>>) offsets(%dma_start3A_206 : memref<128xi32, #tpu.memory_space<vmem>>) semaphore(%arg11 : memref<!tpu.dma_semaphore, #tpu.memory_space<semaphore_mem>>)
      } else {
      }
      %add3A_156 = arith.constant 1 : i32
      %add3A_157 = arith.addi %add3A_108, %add3A_156 : i32
      %ge3A = arith.constant 40 : i32
      %ge3A_158 = arith.cmpi sge, %add3A_157, %ge3A : i32
      %convert_element_type3A_159 = arith.extui %ge3A_158 : i1 to i32
      %cond3A_160 = arith.constant 0 : i32
      %cond3A_161 = arith.cmpi ne, %convert_element_type3A_159, %cond3A_160 : i32
      scf.if %cond3A_161 {
        %dma_wait3A_162 = arith.constant 0 : i32
        %dma_wait3A_163 = arith.constant 0 : i32
        %dma_wait3A_164 = arith.constant 0 : i32
        %dma_wait3A_165 = tpu.memref_slice %arg8[%dma_wait3A_162, %dma_wait3A_163, %dma_wait3A_164] : memref<2x128x128xf32, #tpu.memory_space<vmem>> -> memref<1x128x128xf32, #tpu.memory_space<vmem>>
        %dma_wait3A_166 = tpu.memref_squeeze %dma_wait3A_165 : memref<1x128x128xf32, #tpu.memory_space<vmem>> -> memref<128x128xf32, #tpu.memory_space<vmem>>
        %dma_wait3A_167 = arith.constant 0 : i32
        %dma_wait3A_168 = tpu.memref_slice %arg7[%mul3A_106, %dma_wait3A_167] : memref<40x128xi32, #tpu.memory_space<vmem>> -> memref<1x128xi32, #tpu.memory_space<vmem>>
        %dma_wait3A_169 = tpu.memref_squeeze %dma_wait3A_168 : memref<1x128xi32, #tpu.memory_space<vmem>> -> memref<128xi32, #tpu.memory_space<vmem>>
        %dma_wait3A_170 = arith.constant 0 : i32
        %dma_wait3A_171 = arith.constant 0 : i32
        %dma_wait3A_172 = tpu.memref_slice %arg9[%dma_wait3A_170, %dma_wait3A_171] : memref<10240x128xf32, #tpu.memory_space<vmem_shared>> -> memref<10240x128xf32, #tpu.memory_space<vmem_shared>>
        tpu.wait_indirect_dma semaphore(%arg12 : memref<!tpu.dma_semaphore, #tpu.memory_space<semaphore_mem>>) src(%dma_wait3A_166 : memref<128x128xf32, #tpu.memory_space<vmem>>) dst(%dma_wait3A_172 : memref<10240x128xf32, #tpu.memory_space<vmem_shared>>)
        %dma_wait3A_173 = arith.constant 1 : i32
        %dma_wait3A_174 = arith.constant 0 : i32
        %dma_wait3A_175 = arith.constant 0 : i32
        %dma_wait3A_176 = tpu.memref_slice %arg8[%dma_wait3A_173, %dma_wait3A_174, %dma_wait3A_175] : memref<2x128x128xf32, #tpu.memory_space<vmem>> -> memref<1x128x128xf32, #tpu.memory_space<vmem>>
        %dma_wait3A_177 = tpu.memref_squeeze %dma_wait3A_176 : memref<1x128x128xf32, #tpu.memory_space<vmem>> -> memref<128x128xf32, #tpu.memory_space<vmem>>
        %dma_wait3A_178 = arith.constant 0 : i32
        %dma_wait3A_179 = tpu.memref_slice %arg7[%add3A_108, %dma_wait3A_178] : memref<40x128xi32, #tpu.memory_space<vmem>> -> memref<1x128xi32, #tpu.memory_space<vmem>>
        %dma_wait3A_180 = tpu.memref_squeeze %dma_wait3A_179 : memref<1x128xi32, #tpu.memory_space<vmem>> -> memref<128xi32, #tpu.memory_space<vmem>>
        %dma_wait3A_181 = arith.constant 0 : i32
        %dma_wait3A_182 = arith.constant 0 : i32
        %dma_wait3A_183 = tpu.memref_slice %arg9[%dma_wait3A_181, %dma_wait3A_182] : memref<10240x128xf32, #tpu.memory_space<vmem_shared>> -> memref<10240x128xf32, #tpu.memory_space<vmem_shared>>
        tpu.wait_indirect_dma semaphore(%arg13 : memref<!tpu.dma_semaphore, #tpu.memory_space<semaphore_mem>>) src(%dma_wait3A_177 : memref<128x128xf32, #tpu.memory_space<vmem>>) dst(%dma_wait3A_183 : memref<10240x128xf32, #tpu.memory_space<vmem_shared>>)
      } else {
      }
    }
    %scan3A_98 = arith.constant 20 : i32
    %barrier3A_99 = arith.constant 0 : index
    tpu.barrier barrier_id(%barrier3A_99)
    %mul3A_100 = arith.constant 640 : i32
    %mul3A_101 = arith.muli %arg1, %mul3A_100 : i32
    %mul3A_102 = arith.constant 640 : i32
    %mul3A_103 = arith.muli %arg1, %mul3A_102 : i32
    "tpu.region"() ({
      %run_scoped3A_104 = tpu.sem_alloc : memref<!tpu.dma_semaphore, #tpu.memory_space<semaphore_mem>>
      %dma_start3A_105 = arith.constant 0 : i32
      %dma_start3A_106 = tpu.memref_slice %arg5[%arg0, %mul3A_103, %dma_start3A_105] : memref<2x10240x128xf32, #tpu.memory_space<hbm>> -> memref<1x640x128xf32, #tpu.memory_space<hbm>>
      %dma_start3A_107 = tpu.memref_squeeze %dma_start3A_106 : memref<1x640x128xf32, #tpu.memory_space<hbm>> -> memref<640x128xf32, #tpu.memory_space<hbm>>
      %dma_start3A_108 = arith.constant 0 : i32
      %dma_start3A_109 = tpu.memref_slice %arg9[%mul3A_101, %dma_start3A_108] : memref<10240x128xf32, #tpu.memory_space<vmem_shared>> -> memref<640x128xf32, #tpu.memory_space<vmem_shared>>
      tpu.enqueue_dma source(%dma_start3A_109 : memref<640x128xf32, #tpu.memory_space<vmem_shared>>) target(%dma_start3A_107 : memref<640x128xf32, #tpu.memory_space<hbm>>) target_semaphore(%run_scoped3A_104 : memref<!tpu.dma_semaphore, #tpu.memory_space<semaphore_mem>>)
      %dma_wait3A = arith.constant 0 : i32
      %dma_wait3A_110 = tpu.memref_slice %arg5[%arg0, %mul3A_103, %dma_wait3A] : memref<2x10240x128xf32, #tpu.memory_space<hbm>> -> memref<1x640x128xf32, #tpu.memory_space<hbm>>
      %dma_wait3A_111 = tpu.memref_squeeze %dma_wait3A_110 : memref<1x640x128xf32, #tpu.memory_space<hbm>> -> memref<640x128xf32, #tpu.memory_space<hbm>>
      %dma_wait3A_112 = arith.constant 0 : i32
      %dma_wait3A_113 = tpu.memref_slice %arg9[%mul3A_101, %dma_wait3A_112] : memref<10240x128xf32, #tpu.memory_space<vmem_shared>> -> memref<640x128xf32, #tpu.memory_space<vmem_shared>>
      tpu.wait_dma2 semaphore(%run_scoped3A_104 : memref<!tpu.dma_semaphore, #tpu.memory_space<semaphore_mem>>) src(%dma_wait3A_113 : memref<640x128xf32, #tpu.memory_space<vmem_shared>>) dst(%dma_wait3A_111 : memref<640x128xf32, #tpu.memory_space<hbm>>)
      tpu.yield
    }) : () -> ()
    return
  }
}

module attributes {stable_mosaic.version = 14 : i64} {
  func.func @_z_body(%arg0: i32, %arg1: i32, %arg2: memref<1024x128xf32, #tpu.memory_space<vmem>>, %arg3: memref<1x128x128xf32, #tpu.memory_space<vmem>>, %arg4: memref<1x1024x128xf32, #tpu.memory_space<vmem>>) attributes {dimension_semantics = [#tpu.dimension_semantics<arbitrary>, #tpu.dimension_semantics<arbitrary>], iteration_bounds = array<i64: 10, 16>, scalar_prefetch = 0 : i64, scratch_operands = 0 : i64, tpu.core_type = #tpu.core_type<tc>, window_params = [{transform_indices = @transform_0, window_bounds = array<i64: 1024, 128>}, {transform_indices = @transform_1, window_bounds = array<i64: 1, 128, 128>}, {transform_indices = @transform_2, window_bounds = array<i64: 1, 1024, 128>}]} {
    %get3A = arith.constant 0 : index
    %get3A_0 = arith.constant 0 : index
    %get3A_1 = vector.load %arg2[%get3A, %get3A_0] : memref<1024x128xf32, #tpu.memory_space<vmem>>, vector<1024x128xf32>
    %get3A_2 = arith.constant 0 : index
    %get3A_3 = arith.constant 0 : index
    %get3A_4 = arith.constant 0 : index
    %get3A_5 = vector.load %arg3[%get3A_2, %get3A_3, %get3A_4] : memref<1x128x128xf32, #tpu.memory_space<vmem>>, vector<1x128x128xf32>
    %get3A_6 = vector.shape_cast %get3A_5 : vector<1x128x128xf32> to vector<128x128xf32>
    %dot_general3A = arith.constant dense<0.000000e+00> : vector<1024x128xf32>
    %dot_general3A_7 = tpu.matmul %get3A_1, %get3A_6, %dot_general3A {dimension_numbers = #tpu.dot_dimension_numbers<[1], [1], [0], [0], [0, 0, 1, 0], [], []>, transpose_lhs_hint = false} : vector<1024x128xf32>, vector<128x128xf32>, vector<1024x128xf32> -> vector<1024x128xf32>
    %swap3A = arith.constant 0 : index
    %swap3A_8 = arith.constant 0 : index
    %swap3A_9 = arith.constant 0 : index
    %swap3A_10 = vector.load %arg4[%swap3A, %swap3A_8, %swap3A_9] : memref<1x1024x128xf32, #tpu.memory_space<vmem>>, vector<1x1024x128xf32>
    %swap3A_11 = vector.shape_cast %swap3A_10 : vector<1x1024x128xf32> to vector<1024x128xf32>
    %swap3A_12 = vector.shape_cast %dot_general3A_7 : vector<1024x128xf32> to vector<1x1024x128xf32>
    tpu.vector_store %arg4[%swap3A, %swap3A_8, %swap3A_9], %swap3A_12 {strides = array<i32>} : memref<1x1024x128xf32, #tpu.memory_space<vmem>>, vector<1x1024x128xf32>,
    return
  }
  func.func @transform_0(%arg0: i32, %arg1: i32) -> (i32, i32) {
    %c0_i32 = arith.constant 0 : i32
    %c0_i32_0 = arith.constant 0 : i32
    return %arg0, %c0_i32 : i32, i32
  }
  func.func @transform_1(%arg0: i32, %arg1: i32) -> (i32, i32, i32) {
    %c0_i32 = arith.constant 0 : i32
    %c0_i32_0 = arith.constant 0 : i32
    %c0_i32_1 = arith.constant 0 : i32
    return %arg1, %c0_i32, %c0_i32_0 : i32, i32, i32
  }
  func.func @transform_2(%arg0: i32, %arg1: i32) -> (i32, i32, i32) {
    %c0_i32 = arith.constant 0 : i32
    %c0_i32_0 = arith.constant 0 : i32
    return %arg1, %arg0, %c0_i32 : i32, i32, i32
  }
}

module attributes {stable_mosaic.version = 14 : i64} {
  func.func @_add_body(%arg0: i32, %arg1: memref<2x1000x128xf32, #tpu.memory_space<vmem>>, %arg2: memref<1000x128xf32, #tpu.memory_space<vmem>>) attributes {dimension_semantics = [#tpu.dimension_semantics<arbitrary>], iteration_bounds = array<i64: 10>, scalar_prefetch = 0 : i64, scratch_operands = 0 : i64, tpu.core_type = #tpu.core_type<tc>, window_params = [{transform_indices = @transform_0, window_bounds = array<i64: 2, 1000, 128>}, {transform_indices = @transform_1, window_bounds = array<i64: 1000, 128>}]} {
    %get3A = arith.constant 0 : index
    %get3A_0 = arith.constant 0 : index
    %get3A_1 = arith.constant 0 : index
    %get3A_2 = vector.load %arg1[%get3A, %get3A_0, %get3A_1] : memref<2x1000x128xf32, #tpu.memory_space<vmem>>, vector<1x1000x128xf32>
    %get3A_3 = vector.shape_cast %get3A_2 : vector<1x1000x128xf32> to vector<1000x128xf32>
    %get3A_4 = arith.constant 1 : index
    %get3A_5 = arith.constant 0 : index
    %get3A_6 = arith.constant 0 : index
    %get3A_7 = vector.load %arg1[%get3A_4, %get3A_5, %get3A_6] : memref<2x1000x128xf32, #tpu.memory_space<vmem>>, vector<1x1000x128xf32>
    %get3A_8 = vector.shape_cast %get3A_7 : vector<1x1000x128xf32> to vector<1000x128xf32>
    %add3A = arith.addf %get3A_3, %get3A_8 : vector<1000x128xf32>
    %swap3A = arith.constant 0 : index
    %swap3A_9 = arith.constant 0 : index
    %swap3A_10 = vector.load %arg2[%swap3A, %swap3A_9] : memref<1000x128xf32, #tpu.memory_space<vmem>>, vector<1000x128xf32>
    tpu.vector_store %arg2[%swap3A, %swap3A_9], %add3A {strides = array<i32>} : memref<1000x128xf32, #tpu.memory_space<vmem>>, vector<1000x128xf32>,
    return
  }
  func.func @transform_0(%arg0: i32) -> (i32, i32, i32) {
    %c0_i32 = arith.constant 0 : i32
    %c0_i32_0 = arith.constant 0 : i32
    %c0_i32_1 = arith.constant 0 : i32
    return %c0_i32, %arg0, %c0_i32_0 : i32, i32, i32
  }
  func.func @transform_1(%arg0: i32) -> (i32, i32) {
    %c0_i32 = arith.constant 0 : i32
    %c0_i32_0 = arith.constant 0 : i32
    return %arg0, %c0_i32 : i32, i32
  }
}

</mosaic_0001>

<sc_bundles>
// kernel: kernel.5.cloned.1.call-start
scs
__scs_entry_jumppad:
0x0: {  	(pc) =	sbr.rel $0x88, $3  }
0x1: {  	(tag) =	ssettag $0x0;
	lr =	simm.s32 $0x1  }
0x2: {  	[smem:$0x3F9D] =	sst lr;
	_ =	strace $0xD0000000  }
0x3: {  	_ = 	snop  }
0x4: {  	_ = 	snop  }
0x5: {  	_ = 	snop  }
0x6: {  	_ = 	snop  }
0x7: {  	_ = 	snop  }
__scs_overlays_trampoline_lowered:
0x8: {  	[smem:$0x3FAC] =	sst s0  }
0x9: {  	[smem:$0x3FAD] =	sst s1  }
0xa: {  	[smem:$0x3FAE] =	sst s2  }
0xb: {  	[smem:$0x3FAF] =	sst s3  }
0xc: {  	[smem:$0x3FB0] =	sst s4  }
0xd: {  	[smem:$0x3FB1] =	sst s5  }
0xe: {  	[smem:$0x3FB2] =	sst s6  }
0xf: {  	[smem:$0x3FB3] =	sst s7  }
0x10: {  	[smem:$0x3FB4] =	sst s8  }
0x11: {  	[smem:$0x3FB5] =	sst s9;
	s0 =	simm.s32 @!p0 $0x0  }
0x12: {  	s1 =	sld [smem:$0x3F9B];
	s0 =	simm.s32 @p0 $0x1  }
0x13: {  	[smem:$0x3FB6] =	sst s0;
	s0 =	simm.s32 @!p1 $0x0  }
0x14: {  	s2 =	sld [smem:$0x3F9A];
	s0 =	simm.s32 @p1 $0x1  }
0x15: {  	[smem:$0x3FB7] =	sst s0;
	s0 =	simm.s32 @!p2 $0x0  }
0x16: {  	s3 =	sld [smem:$0x3FDB];
	s0 =	simm.s32 @p2 $0x1  }
0x17: {  	s4 =	simm.s32 $0x1BF5;
	[smem:$0x3FB9] =	sst s0  }
0x18: {  	s0 =	sld [smem:$0x3F9C];
	_ =	swait.ge [sflag:s4], $0x0  }
0x19: {  	s7 =	sld [smem:$0x3F9D]  }
0x1a: {  	s8 =	sadd.s32 $0xFFFFE003, lr  }
0x1b: {  	s9 =	sadd.s32 $0xFFFFFEF7, lr;
	s5 =	simm.s32 $0xFFFFFFFF;
	p2 =	slt.u32 s8, $0xFFFFF086  }
0x1c: {  	p1 =	slt.u32 s9, $0xF7A;
	s5 =	simm.s32 @!p2 $0x0  }
0x1d: {  	s5 =	simm.s32 @p1 $0x1;
	p0 =	seq.s32 s7, s2  }
0x1e: {  	s7 =	smul.u32 @!p0 $0xF7A, s2;
	p2 =	seq.s32 @!p0 s5, $0x0  }
0x1f: {  	s9 =	smul.u32 $0xF7A, s1;
	s8 =	simm.s32 @!p0 $0x1BF5;
	p2 =	por !p2, p0  }
0x20: {  	[sflag:s8] =	ssyncset.s32 @!p0 $0xFFFFF086;
	s6 =	sadd.s32 @!p0 s3, s7;
	s7 =	simm.s32 @!p0 $0x108  }
0x21: {  	s3 =	sadd.s32 s3, s9;
	s6 =	sadd.s32 @!p0 $0x88, s6;
	s7 =	simm.s32 @p2 $0x1082  }
0x22: {  	[simem:s7], [sflag:s8] =	dma.local @!p0 [hbm:s6], $0xF7A  }
0x23: {  	s9 =	sor.u32 $0xD0000000, s2;
	s6 =	simm.s32 $0x108;
	_ =	swait.ge @!p0 [sflag:s8], $0x0  }
0x24: {  	s3 =	sadd.s32 $0x88, s3;
	s6 =	simm.s32 @!p1 $0x1082;
	[sflag:s4] =	ssyncset.s32 $0xFFFFF086  }
0x25: {  	[simem:s6], [sflag:s4] =	dma.local [hbm:s3], $0xF7A  }
0x26: {  	[smem:$0x3F9D] =	sst s1;
	(tag) =	ssettag s2;
	_ =	strace s9  }
0x27: {  	s1 =	sld [smem:$0x3FAD]  }
0x28: {  	s2 =	sld [smem:$0x3FAE]  }
0x29: {  	s4 =	sld [smem:$0x3FB0]  }
0x2a: {  	p0 =	seq.s32 s5, $0x0;
	s5 =	sld [smem:$0x3FB1]  }
0x2b: {  	s6 =	sld [smem:$0x3FB2]  }
0x2c: {  	s7 =	sld [smem:$0x3FB3]  }
0x2d: {  	s3 =	simm.s32 $0x108;
	s8 =	sld [smem:$0x3FB4]  }
0x2e: {  	s3 =	simm.s32 @!p0 $0x1082;
	s9 =	sld [smem:$0x3FB5]  }
0x2f: {  	lr =	sadd.s32 s0, s3;
	s0 =	sld [smem:$0x3FAC]  }
0x30: {  	s3 =	sld [smem:$0x3FAF]  }
0x31: {  	[smem:$0x3FB8] =	sst s10  }
0x32: {  	s10 =	sld [smem:$0x3FB6];
	_ =	sdelay $0x3  }
0x33: {  	p0 =	seq.s32 s10, $0x1;
	s10 =	sld [smem:$0x3FB8];
	_ =	sdelay $0x3  }
0x34: {  	[smem:$0x3FB8] =	sst s10  }
0x35: {  	s10 =	sld [smem:$0x3FB7];
	_ =	sdelay $0x3  }
0x36: {  	p1 =	seq.s32 s10, $0x1;
	s10 =	sld [smem:$0x3FB8];
	_ =	sdelay $0x3  }
0x37: {  	[smem:$0x3FB8] =	sst s10  }
0x38: {  	s10 =	sld [smem:$0x3FB9]  }
0x39: {  	_ = 	snop;
	(pc) =	sbr.ind lr, $3  }
0x3a: {  	_ = 	snop  }
0x3b: {  	_ = 	snop  }
0x3c: {  	p2 =	seq.s32 s10, $0x1;
	s10 =	sld [smem:$0x3FB8]  }
0x3d: {  	_ =	shalt  }
0x3e: {  	_ =	shalt  }
0x3f: {  	_ =	shalt  }
0x40: {  	_ =	shalt  }
0x41: {  	_ =	shalt  }
0x42: {  	_ =	shalt  }
0x43: {  	_ =	shalt  }
0x44: {  	_ =	shalt  }
0x45: {  	_ =	shalt  }
0x46: {  	_ =	shalt  }
0x47: {  	_ =	shalt  }
0x48: {  	_ =	shalt  }
0x49: {  	_ =	shalt  }
0x4a: {  	_ =	shalt  }
0x4b: {  	_ =	shalt  }
0x4c: {  	_ =	shalt  }
0x4d: {  	_ =	shalt  }
0x4e: {  	_ =	shalt  }
0x4f: {  	_ =	shalt  }
0x50: {  	_ =	shalt  }
0x51: {  	_ =	shalt  }
0x52: {  	_ =	shalt  }
0x53: {  	_ =	shalt  }
0x54: {  	_ =	shalt  }
0x55: {  	_ =	shalt  }
0x56: {  	_ =	shalt  }
0x57: {  	_ =	shalt  }
0x58: {  	_ =	shalt  }
0x59: {  	_ =	shalt  }
0x5a: {  	_ =	shalt  }
0x5b: {  	_ =	shalt  }
0x5c: {  	_ =	shalt  }
0x5d: {  	_ =	shalt  }
0x5e: {  	_ =	shalt  }
0x5f: {  	_ =	shalt  }
0x60: {  	_ =	shalt  }
0x61: {  	_ =	shalt  }
0x62: {  	_ =	shalt  }
0x63: {  	_ =	shalt  }
0x64: {  	_ =	shalt  }
0x65: {  	_ =	shalt  }
0x66: {  	_ =	shalt  }
0x67: {  	_ =	shalt  }
0x68: {  	_ =	shalt  }
0x69: {  	_ =	shalt  }
0x6a: {  	_ =	shalt  }
0x6b: {  	_ =	shalt  }
0x6c: {  	_ =	shalt  }
0x6d: {  	_ =	shalt  }
0x6e: {  	_ =	shalt  }
0x6f: {  	_ =	shalt  }
0x70: {  	_ =	shalt  }
0x71: {  	_ =	shalt  }
0x72: {  	_ =	shalt  }
0x73: {  	_ =	shalt  }
0x74: {  	_ =	shalt  }
0x75: {  	_ =	shalt  }
0x76: {  	_ =	shalt  }
0x77: {  	_ =	shalt  }
0x78: {  	_ =	shalt  }
0x79: {  	_ =	shalt  }
0x7a: {  	_ =	shalt  }
0x7b: {  	_ =	shalt  }
0x7c: {  	_ =	shalt  }
0x7d: {  	_ =	shalt  }
0x7e: {  	_ =	shalt  }
0x7f: {  	_ =	shalt  }
0x80: {  	_ =	shalt  }
0x81: {  	_ =	shalt  }
0x82: {  	_ =	shalt  }
0x83: {  	_ =	shalt  }
0x84: {  	_ =	shalt  }
0x85: {  	_ =	shalt  }
0x86: {  	_ =	shalt  }
0x87: {  	_ =	shalt  }
.Lfunc_end0:
.L_simem_size_0:
called_computation_lowered:
.L_overlay_start_0:
0x88: {  	s2 =	sld [smem:$0x3FD9]  }
0x89: {  	s3 =	sld [smem:$0x3FFE];
	_ =	sdelay $0x1  }
0x8a: {  	s1 =	srdreg.scid  }
0x8b: {  	s0 =	sand.u32 $0x1, s1  }
0x8c: {  	s17 =	sshll.u32 s0, $0xA;
	s2 =	sadd.s32 s3, s2  }
0x8d: {  	s2 =	sadd.s32 s2, s17  }
0x8e: {  	[smem:$0x3FC4] =	sst s2  }
0x8f: {  	_ = 	snop  }
0x90: {  	s2 =	sld [smem:$0x3FD0];
	(tm) =	ssettm $0x1  }
0x91: {  	s18 =	sld [smem:$0x3FFB];
	_ =	sdelay $0x3  }
0x92: {  	_ =	strace s18  }
0x93: {  	s3 =	sld [smem:$0x3FFC];
	_ =	sdelay $0x3  }
0x94: {  	_ =	strace s3  }
0x95: {  	s3 =	sld [smem:$0x3FFD];
	_ =	sdelay $0x3  }
0x96: {  	_ =	strace s3  }
0x97: {  	_ =	strace $0x8FFFFFFF  }
0x98: {  	s19 =	sld [smem:$0x3FDB];
	_ =	sdelay $0x1  }
0x99: {  	s4 =	simm.s32 $_scs_section_size  }
0x9a: {  	s5 =	simm.s32 $_size__tile_overlayer_lowered;
	s6 =	simm.s32 $_tile_overlayer_lowered  }
0x9b: {  	s22 =	simm.s32 $0x1BFF;
	s21 =	sshll.u32 s6, $0x1;
	s3 =	sadd.s32 s4, s19  }
0x9c: {  	s7 =	simm.s32 $0x0;
	s20 =	sshll.u32 s5, $0x1;
	s5 =	sadd.s32 s21, s3  }
0x9d: {  	[timem:s7], [sflag:s22] =	dma.local [hbm:s5], s20  }
0x9e: {  	_ =	swait.ge [sflag:s22], s20  }
0x9f: {  	s4 =	ssub.s32 $0x0, s20;
	[sflag:s22] =	ssyncset.done $0x0  }
0xa0: {  	[sflag:s22] =	ssyncadd.s32 s4;
	_ =	sdelay $0x1  }
0xa1: {  	s23 =	simm.s32 $0x1B8B  }
0xa2: {  	_ =	swait.ge [sflag:s23], $0x1  }
0xa3: {  	[sflag:s23] =	ssyncset.done $0x0  }
0xa4: {  	s25 =	simm.s32 $0x1B8E;
	s24 =	sld [smem:$0x3FFE];
	[sflag:s23] =	ssyncadd.s32 $0xFFFFFFFF  }
0xa5: {  	s26 =	simm.s32 $execute0_lowered;
	[smem:$0x3FD2] =	sst s25  }
0xa6: {  	s5 =	sshll.u32 s26, $0x1;
	_ =	strace $0x80000046;
	[dreg:$0x1] =	wrdreg $0xFFFFFFFF  }
0xa7: {  	s28 =	simm.s32 $_size_execute0_lowered;
	s3 =	sadd.s32 s3, s5;
	[dreg:$0x0] =	wrdreg $0x0  }
0xa8: {  	s5 =	sshll.u32 s28, $0x1;
	[dreg:$0x2] =	wrdreg s3  }
0xa9: {  	[dreg:$0x3] =	wrdreg s5  }
0xaa: {  	[dreg:$0x4] =	wrdreg $0xC0  }
0xab: {  	_ =	task [dreg:s7], $0x5FFFF  }
0xac: {  	[dreg:$0x1] =	wrdreg $0xFFFFFFFF  }
0xad: {  	[dreg:$0x0] =	wrdreg $0x60  }
0xae: {  	[dreg:$0x2] =	wrdreg s24  }
0xaf: {  	[dreg:$0x3] =	wrdreg s2  }
0xb0: {  	[dreg:$0x4] =	wrdreg $0xA8000  }
0xb1: {  	[dreg:$0x5] =	wrdreg $0x9  }
0xb2: {  	_ =	task.clear_ibuf [dreg:s7], $0x6FFFF;
	_ =	strace $0x90000046  }
0xb3: {  	s29 =	simm.s32 $0x9;
	_ =	strace $0x80000048  }
0xb4: {  	_ =	swait.ge [sflag:s29], $0x1  }
0xb5: {  	[sflag:s29] =	ssyncadd.s32 $0xFFFFFFFF  }
0xb6: {  	_ =	strace $0x90000048  }
0xb7: {  	_ =	sfence  }
0xb8: {  	s30 =	sld [smem:$0x0];
	_ =	sdelay $0x2  }
0xb9: {  	s31 =	sshll.u32 s1, $0xD;
	s1 =	sshrl.u32 s1, $0x2  }
0xba: {  	s3 =	sand.u32 $0x4000, s31;
	s1 =	sadd.s32 s1, s30  }
0xbb: {  	s0 =	sor.u32 s3, s0;
	s1 =	sshll.u32 s1, $0x11  }
0xbc: {  	s0 =	sor.u32 s1, s0  }
0xbd: {  	s0 =	sadd.s32 $0x8F2B, s0  }
0xbe: {  	[sflag:s0] =	ssyncadd.remote.s32 $0x1  }
0xbf: {  	_ =	sfence.sel $0xFFFF  }
0xc0: {  	[dreg:$0x0] =	wrdreg $0xFFFFFFFF;
	(pc) =	sbr.abs _section_cstart, $3  }
0xc1: {  	[dreg:$0x1] =	wrdreg $0xFFFFFFFF  }
0xc2: {  	_ =	task.clear_ibuf [dreg:s7], $0x2FFFF;
	_ =	strace $0x9FFFFFFF  }
0xc3: {  	(tm) =	ssettm $0x7FFFFFFF  }
tec
execute0_lowered:
.L_overlay_start_1:
0x0: {  	(tag) =	ssettag $0x1  }
0x1: {  	s5 =	rddreg [dreg:$0x0]  }
0x2: {  	s12 =	rddreg [dreg:$0x1];
	s0 =	srdreg.scid  }
0x3: {  	s2 =	rddreg [dreg:$0x2];
	s1 =	stileid.u32  }
0x4: {  	s3 =	simm.s32 $0x0;
	s17 =	simm.s32 $0x5;
	s18 =	simm.s32 $0x1400  }
0x5: {  	s19 =	simm.s32 $0x80;
	s20 =	simm.s32 $0x6800;
	s21 =	simm.s32 $0x1  }
0x6: {  	s22 =	simm.s32 $0x2;
	s23 =	simm.s32 $0x3;
	s24 =	simm.s32 $0x4  }
0x7: {  	s25 =	simm.s32 $0x2700;
	s6 =	sand.u32 $0x1, s0;
	s0 =	rddreg [dreg:$0x3]  }
0x8: {  	s26 =	simm.s32 $0x2780;
	s8 =	smul.u32 $0x14000, s1;
	[smem:$0x7FF] =	sst s3  }
0x9: {  	s4 =	sadd.s32 $0x400, s5;
	s13 =	sadd.s32 $0x271400, s5;
	s28 =	smul.u32 $0x50000, s1  }
0xa: {  	s7 =	smul.u32 $0x140000, s6;
	s29 =	ssub.s32 $0x2, s6;
	s6 =	sshll.u32 s6, $0x4  }
0xb: {  	_ =	strace $0x80000047;
	s30 =	sshrl.u32 s29, $0x1;
	s9 =	sor.u32 s1, s6  }
0xc: {  	s31 =	sshrl.u32 s28, $0x2;
	s7 =	sadd.s32 s8, s7;
	s10 =	smul.u32 $0x2800, s9  }
0xd: {  	s15 =	ssub.s32 s29, s30;
	s11 =	smul.u32 $0x500, s9;
	s7 =	sshrl.u32 s7, $0x3  }
0xe: {  	s15 =	smax.u32 s15, $0x1;
	s14 =	sadd.s32 s7, s5;
	s5 =	sadd.s32 s31, s2  }
0xf: {  	s16 =	sshrl.u32 s10, $0x3;
	s10 =	sadd.s32 s12, s11;
	s11 =	sadd.s32 s13, s11  }
0x10: {  	s6 =	sadd.s32 $0x4000, s5;
	s7 =	sadd.s32 $0x8000, s5;
	s8 =	sadd.s32 $0xC000, s5  }
0x11: {  	s9 =	sadd.s32 $0x10000, s5;
	s16 =	sadd.s32 $0x280, s16;
	s14 =	sadd.s32 $0x27B400, s14  }
0x12: {  	v0 =	vimm.f32 $0.0e+00;
	s12 =	sadd.s32 s12, s16;
	s13 =	sadd.s32 s13, s16;
	s16 =	simm.s32 $0x2800  }
.LBB2_1:
0x13: {  	s28 =	simm.s32 $0x0;
	s29 =	simm.s32 $0x200  }
.LBB2_2:
0x14: {  	p0 =	sne.s32 s29, $0xFE00;
	[tilespmem:s28+$0x2870] =	vst v0  }
0x15: {  	[tilespmem:s28+$0x2800] =	vst v0  }
0x16: {  	[tilespmem:s28+$0x2810] =	vst v0  }
.Ltmp0:
0x17: {  	[tilespmem:s28+$0x2820] =	vst v0;
	(pc) =	sbr.rel @p0 .LBB2_2-.Ltmp0, $4  }
0x18: {  	[tilespmem:s28+$0x2830] =	vst v0  }
0x19: {  	[tilespmem:s28+$0x2840] =	vst v0  }
0x1a: {  	[tilespmem:s28+$0x2850] =	vst v0  }
0x1b: {  	[tilespmem:s28+$0x2860] =	vst v0;
	s28 =	sshra.s32 s29, $0x2;
	s29 =	sadd.s32 $0x200, s29  }
0x1c: {  	[tilespmem:s28+$0x2870] =	vst v0  }
0x1d: {  	[tilespmem:s28+$0x2800] =	vst v0  }
0x1e: {  	[tilespmem:s28+$0x2810] =	vst v0  }
0x1f: {  	[tilespmem:s28+$0x2820] =	vst v0  }
0x20: {  	[tilespmem:s28+$0x2830] =	vst v0  }
0x21: {  	[tilespmem:s28+$0x2840] =	vst v0  }
0x22: {  	[tilespmem:s28+$0x2850] =	vst v0  }
0x23: {  	[tilespmem:s28+$0x2860] =	vst v0  }
0x24: {  	[spmem:s5] =	stream.linear.scatter [tilespmem:s16], [sflag:$0x5], $0x4000, $0x38;
	[tilespmem:$0x1E800] =	vst v63  }
0x25: {  	_ =	swait.ge [sflag:s17], $0x4000  }
0x26: {  	[sflag:s17] =	ssyncset.done $0x0  }
0x27: {  	[sflag:s17] =	ssyncadd.s32 $0xFFFFC000  }
0x28: {  	[spmem:s6] =	stream.linear.scatter [tilespmem:s16], [sflag:$0x5], $0x4000, $0x38;
	[tilespmem:$0x1E800] =	vst v63  }
0x29: {  	_ =	swait.ge [sflag:s17], $0x4000  }
0x2a: {  	[sflag:s17] =	ssyncset.done $0x0  }
0x2b: {  	[sflag:s17] =	ssyncadd.s32 $0xFFFFC000  }
0x2c: {  	[spmem:s7] =	stream.linear.scatter [tilespmem:s16], [sflag:$0x5], $0x4000, $0x38;
	[tilespmem:$0x1E800] =	vst v63  }
0x2d: {  	_ =	swait.ge [sflag:s17], $0x4000  }
0x2e: {  	[sflag:s17] =	ssyncset.done $0x0  }
0x2f: {  	[sflag:s17] =	ssyncadd.s32 $0xFFFFC000  }
0x30: {  	[spmem:s8] =	stream.linear.scatter [tilespmem:s16], [sflag:$0x5], $0x4000, $0x38;
	[tilespmem:$0x1E800] =	vst v63  }
0x31: {  	_ =	swait.ge [sflag:s17], $0x4000  }
0x32: {  	[sflag:s17] =	ssyncset.done $0x0  }
0x33: {  	[sflag:s17] =	ssyncadd.s32 $0xFFFFC000  }
0x34: {  	[spmem:s9] =	stream.linear.scatter [tilespmem:s16], [sflag:$0x5], $0x4000, $0x38;
	[tilespmem:$0x1E800] =	vst v63  }
0x35: {  	_ =	swait.ge [sflag:s17], $0x4000  }
0x36: {  	[sflag:s17] =	ssyncset.done $0x0  }
0x37: {  	[sflag:s17] =	ssyncadd.s32 $0xFFFFC000  }
0x38: {  	s28 =	simm.s32 $0x0;
	[bflag:$0x0] =	sbarrier.arrive $0xFFFF  }
0x39: {  	[tilespmem:s28], [sflag:$0x5] =	stream.linear.gather [hbm4b:s10+s28], $0x1400, $0x38;
	[tilespmem:$0x1E800] =	vst v63  }
0x3a: {  	_ =	swait.ge [sflag:s17], $0x1400  }
0x3b: {  	[sflag:s17] =	ssyncset.done $0x0  }
0x3c: {  	[sflag:s17] =	ssyncadd.s32 $0xFFFFEC00  }
0x3d: {  	[tilespmem:s18], [sflag:$0x5] =	stream.linear.gather [hbm4b:s11+s28], $0x1400, $0x38;
	[tilespmem:$0x1E800] =	vst v63  }
0x3e: {  	_ =	swait.ge [sflag:s17], $0x1400  }
0x3f: {  	[sflag:s17] =	ssyncset.done $0x0  }
0x40: {  	[sflag:s17] =	ssyncadd.s32 $0xFFFFEC00  }
0x41: {  	[tilespmem:s16], [sflag:$0x1] =	stream.indirect.gather [hbm4b:s4+s19], $0x80, s28, s19, $0xb8;
	[tilespmem:$0x1E800] =	vst v63  }
0x42: {  	_ = 	snop  }
0x43: {  	[tilespmem:s20], [sflag:$0x2] =	stream.indirect.gather [hbm4b:s4+s19], $0x80, s19, s19, $0xb8;
	[tilespmem:$0x1E800] =	vst v63  }
0x44: {  	_ =	swait.ge [sflag:s21], $0x4000  }
0x45: {  	[sflag:s21] =	ssyncset.done $0x0  }
0x46: {  	s28 =	simm.s32 $0x1400;
	[sflag:s21] =	ssyncadd.s32 $0xFFFFC000  }
0x47: {  	[spmem:s2] =	stream.indirect.scatter.add.f32 [tilespmem:s16], [sflag:$0x3], $0x80, s28, s19, $0xb8;
	[tilespmem:$0x1E800] =	vst v63  }
0x48: {  	_ =	swait.ge [sflag:s22], $0x4000  }
0x49: {  	[sflag:s22] =	ssyncset.done $0x0  }
0x4a: {  	s28 =	simm.s32 $0x1480;
	[sflag:s22] =	ssyncadd.s32 $0xFFFFC000  }
0x4b: {  	[spmem:s2] =	stream.indirect.scatter.add.f32 [tilespmem:s20], [sflag:$0x4], $0x80, s28, s19, $0xb8;
	[tilespmem:$0x1E800] =	vst v63  }
0x4c: {  	_ =	swait.ge [sflag:s23], $0x4000  }
0x4d: {  	[sflag:s23] =	ssyncset.done $0x0  }
0x4e: {  	s28 =	simm.s32 $0x100;
	[sflag:s23] =	ssyncadd.s32 $0xFFFFC000  }
0x4f: {  	[tilespmem:s16], [sflag:$0x1] =	stream.indirect.gather [hbm4b:s4+s19], $0x80, s28, s19, $0xb8;
	[tilespmem:$0x1E800] =	vst v63  }
0x50: {  	_ =	swait.ge [sflag:s24], $0x4000  }
0x51: {  	[sflag:s24] =	ssyncset.done $0x0  }
0x52: {  	s29 =	simm.s32 $0x180;
	s28 =	simm.s32 $0x400;
	[sflag:s24] =	ssyncadd.s32 $0xFFFFC000  }
.LBB2_4:
0x53: {  	[tilespmem:s20], [sflag:$0x2] =	stream.indirect.gather [hbm4b:s4+s19], $0x80, s29, s19, $0xb8;
	[tilespmem:$0x1E800] =	vst v63  }
0x54: {  	s29 =	smov.u32 s28  }
0x55: {  	p0 =	sne.s32 s28, $0x4800;
	s28 =	sadd.s32 $0x400, s28;
	_ =	swait.ge [sflag:s21], $0x4000  }
0x56: {  	s29 =	sshra.s32 s29, $0x2;
	[sflag:s21] =	ssyncset.done $0x0  }
0x57: {  	s30 =	sadd.s32 $0x1400, s29;
	[sflag:s21] =	ssyncadd.s32 $0xFFFFC000  }
0x58: {  	[spmem:s2] =	stream.indirect.scatter.add.f32 [tilespmem:s16], [sflag:$0x3], $0x80, s30, s19, $0xb8;
	[tilespmem:$0x1E800] =	vst v63  }
0x59: {  	_ =	swait.ge [sflag:s22], $0x4000  }
0x5a: {  	[sflag:s22] =	ssyncset.done $0x0  }
0x5b: {  	s30 =	sadd.s32 $0x1480, s29;
	[sflag:s22] =	ssyncadd.s32 $0xFFFFC000  }
0x5c: {  	[spmem:s2] =	stream.indirect.scatter.add.f32 [tilespmem:s20], [sflag:$0x4], $0x80, s30, s19, $0xb8;
	[tilespmem:$0x1E800] =	vst v63  }
0x5d: {  	_ =	swait.ge [sflag:s23], $0x4000  }
0x5e: {  	[sflag:s23] =	ssyncset.done $0x0  }
.Ltmp1:
0x5f: {  	s30 =	sadd.s32 $0x100, s29;
	[sflag:s23] =	ssyncadd.s32 $0xFFFFC000;
	(pc) =	sbr.rel @p0 .LBB2_4-.Ltmp1, $4  }
0x60: {  	[tilespmem:s16], [sflag:$0x1] =	stream.indirect.gather [hbm4b:s4+s19], $0x80, s30, s19, $0xb8;
	[tilespmem:$0x1E800] =	vst v63  }
0x61: {  	_ =	swait.ge [sflag:s24], $0x4000  }
0x62: {  	[sflag:s24] =	ssyncset.done $0x0  }
0x63: {  	s29 =	sadd.s32 $0x180, s29;
	[sflag:s24] =	ssyncadd.s32 $0xFFFFC000  }
0x64: {  	[tilespmem:s20], [sflag:$0x2] =	stream.indirect.gather [hbm4b:s4+s19], $0x80, s29, s19, $0xb8;
	[tilespmem:$0x1E800] =	vst v63  }
0x65: {  	_ =	swait.ge [sflag:s21], $0x4000  }
0x66: {  	[sflag:s21] =	ssyncset.done $0x0  }
0x67: {  	[sflag:s21] =	ssyncadd.s32 $0xFFFFC000  }
0x68: {  	[spmem:s2] =	stream.indirect.scatter.add.f32 [tilespmem:s16], [sflag:$0x3], $0x80, s25, s19, $0xb8;
	[tilespmem:$0x1E800] =	vst v63  }
0x69: {  	_ =	swait.ge [sflag:s22], $0x4000  }
0x6a: {  	[sflag:s22] =	ssyncset.done $0x0  }
0x6b: {  	[sflag:s22] =	ssyncadd.s32 $0xFFFFC000  }
0x6c: {  	[spmem:s2] =	stream.indirect.scatter.add.f32 [tilespmem:s20], [sflag:$0x4], $0x80, s26, s19, $0xb8;
	[tilespmem:$0x1E800] =	vst v63  }
0x6d: {  	_ =	swait.ge [sflag:s23], $0x4000  }
0x6e: {  	[sflag:s23] =	ssyncset.done $0x0  }
0x6f: {  	[sflag:s23] =	ssyncadd.s32 $0xFFFFC000  }
0x70: {  	_ =	swait.ge [sflag:s24], $0x4000  }
0x71: {  	[sflag:s24] =	ssyncset.done $0x0  }
0x72: {  	s28 =	simm.s32 $0x0;
	[sflag:s24] =	ssyncadd.s32 $0xFFFFC000  }
0x73: {  	[tilespmem:s28], [sflag:$0x5] =	stream.linear.gather [hbm4b:s12+s28], $0x1400, $0x38;
	[tilespmem:$0x1E800] =	vst v63  }
0x74: {  	_ =	swait.ge [sflag:s17], $0x1400  }
0x75: {  	[sflag:s17] =	ssyncset.done $0x0  }
0x76: {  	[sflag:s17] =	ssyncadd.s32 $0xFFFFEC00  }
0x77: {  	[tilespmem:s18], [sflag:$0x5] =	stream.linear.gather [hbm4b:s13+s28], $0x1400, $0x38;
	[tilespmem:$0x1E800] =	vst v63  }
0x78: {  	_ =	swait.ge [sflag:s17], $0x1400  }
0x79: {  	[sflag:s17] =	ssyncset.done $0x0  }
0x7a: {  	[sflag:s17] =	ssyncadd.s32 $0xFFFFEC00  }
0x7b: {  	[tilespmem:s16], [sflag:$0x1] =	stream.indirect.gather [hbm4b:s4+s19], $0x80, s28, s19, $0xb8;
	[tilespmem:$0x1E800] =	vst v63  }
0x7c: {  	_ = 	snop  }
0x7d: {  	[tilespmem:s20], [sflag:$0x2] =	stream.indirect.gather [hbm4b:s4+s19], $0x80, s19, s19, $0xb8;
	[tilespmem:$0x1E800] =	vst v63  }
0x7e: {  	_ =	swait.ge [sflag:s21], $0x4000  }
0x7f: {  	[sflag:s21] =	ssyncset.done $0x0  }
0x80: {  	s28 =	simm.s32 $0x1400;
	[sflag:s21] =	ssyncadd.s32 $0xFFFFC000  }
0x81: {  	[spmem:s2] =	stream.indirect.scatter.add.f32 [tilespmem:s16], [sflag:$0x3], $0x80, s28, s19, $0xb8;
	[tilespmem:$0x1E800] =	vst v63  }
0x82: {  	_ =	swait.ge [sflag:s22], $0x4000  }
0x83: {  	[sflag:s22] =	ssyncset.done $0x0  }
0x84: {  	s28 =	simm.s32 $0x1480;
	[sflag:s22] =	ssyncadd.s32 $0xFFFFC000  }
0x85: {  	[spmem:s2] =	stream.indirect.scatter.add.f32 [tilespmem:s20], [sflag:$0x4], $0x80, s28, s19, $0xb8;
	[tilespmem:$0x1E800] =	vst v63  }
0x86: {  	_ =	swait.ge [sflag:s23], $0x4000  }
0x87: {  	[sflag:s23] =	ssyncset.done $0x0  }
0x88: {  	s28 =	simm.s32 $0x100;
	[sflag:s23] =	ssyncadd.s32 $0xFFFFC000  }
0x89: {  	[tilespmem:s16], [sflag:$0x1] =	stream.indirect.gather [hbm4b:s4+s19], $0x80, s28, s19, $0xb8;
	[tilespmem:$0x1E800] =	vst v63  }
0x8a: {  	_ =	swait.ge [sflag:s24], $0x4000  }
0x8b: {  	[sflag:s24] =	ssyncset.done $0x0  }
0x8c: {  	s29 =	simm.s32 $0x180;
	s28 =	simm.s32 $0x400;
	[sflag:s24] =	ssyncadd.s32 $0xFFFFC000  }
.LBB2_6:
0x8d: {  	[tilespmem:s20], [sflag:$0x2] =	stream.indirect.gather [hbm4b:s4+s19], $0x80, s29, s19, $0xb8;
	[tilespmem:$0x1E800] =	vst v63  }
0x8e: {  	s29 =	smov.u32 s28  }
0x8f: {  	p0 =	sne.s32 s28, $0x4800;
	s28 =	sadd.s32 $0x400, s28;
	_ =	swait.ge [sflag:s21], $0x4000  }
0x90: {  	s29 =	sshra.s32 s29, $0x2;
	[sflag:s21] =	ssyncset.done $0x0  }
0x91: {  	s30 =	sadd.s32 $0x1400, s29;
	[sflag:s21] =	ssyncadd.s32 $0xFFFFC000  }
0x92: {  	[spmem:s2] =	stream.indirect.scatter.add.f32 [tilespmem:s16], [sflag:$0x3], $0x80, s30, s19, $0xb8;
	[tilespmem:$0x1E800] =	vst v63  }
0x93: {  	_ =	swait.ge [sflag:s22], $0x4000  }
0x94: {  	[sflag:s22] =	ssyncset.done $0x0  }
0x95: {  	s30 =	sadd.s32 $0x1480, s29;
	[sflag:s22] =	ssyncadd.s32 $0xFFFFC000  }
0x96: {  	[spmem:s2] =	stream.indirect.scatter.add.f32 [tilespmem:s20], [sflag:$0x4], $0x80, s30, s19, $0xb8;
	[tilespmem:$0x1E800] =	vst v63  }
0x97: {  	_ =	swait.ge [sflag:s23], $0x4000  }
0x98: {  	[sflag:s23] =	ssyncset.done $0x0  }
.Ltmp2:
0x99: {  	s30 =	sadd.s32 $0x100, s29;
	[sflag:s23] =	ssyncadd.s32 $0xFFFFC000;
	(pc) =	sbr.rel @p0 .LBB2_6-.Ltmp2, $4  }
0x9a: {  	[tilespmem:s16], [sflag:$0x1] =	stream.indirect.gather [hbm4b:s4+s19], $0x80, s30, s19, $0xb8;
	[tilespmem:$0x1E800] =	vst v63  }
0x9b: {  	_ =	swait.ge [sflag:s24], $0x4000  }
0x9c: {  	[sflag:s24] =	ssyncset.done $0x0  }
0x9d: {  	s29 =	sadd.s32 $0x180, s29;
	[sflag:s24] =	ssyncadd.s32 $0xFFFFC000  }
0x9e: {  	[tilespmem:s20], [sflag:$0x2] =	stream.indirect.gather [hbm4b:s4+s19], $0x80, s29, s19, $0xb8;
	[tilespmem:$0x1E800] =	vst v63  }
0x9f: {  	_ =	swait.ge [sflag:s21], $0x4000  }
0xa0: {  	[sflag:s21] =	ssyncset.done $0x0  }
0xa1: {  	[sflag:s21] =	ssyncadd.s32 $0xFFFFC000  }
0xa2: {  	[spmem:s2] =	stream.indirect.scatter.add.f32 [tilespmem:s16], [sflag:$0x3], $0x80, s25, s19, $0xb8;
	[tilespmem:$0x1E800] =	vst v63  }
0xa3: {  	_ =	swait.ge [sflag:s22], $0x4000  }
0xa4: {  	[sflag:s22] =	ssyncset.done $0x0  }
0xa5: {  	[sflag:s22] =	ssyncadd.s32 $0xFFFFC000  }
0xa6: {  	[spmem:s2] =	stream.indirect.scatter.add.f32 [tilespmem:s20], [sflag:$0x4], $0x80, s26, s19, $0xb8;
	[tilespmem:$0x1E800] =	vst v63  }
0xa7: {  	_ =	swait.ge [sflag:s23], $0x4000  }
0xa8: {  	[sflag:s23] =	ssyncset.done $0x0  }
0xa9: {  	[sflag:s23] =	ssyncadd.s32 $0xFFFFC000  }
0xaa: {  	_ =	swait.ge [sflag:s24], $0x4000  }
0xab: {  	s28 =	sshll.u32 s1, $0x6;
	s3 =	sadd.s32 $0x1, s3;
	[sflag:s24] =	ssyncset.done $0x0  }
0xac: {  	s31 =	sshrl.u32 s5, $0x3;
	p0 =	sne.s32 s3, s15;
	[sflag:s24] =	ssyncadd.s32 $0xFFFFC000  }
.Ltmp3:
0xad: {  	s28 =	sor.u32 $0x1C05, s28;
	[bflag:$0x0] =	sbarrier.arrive $0xFFFF;
	(pc) =	sbr.rel @p0 .LBB2_1-.Ltmp3, $4  }
0xae: {  	[hbm:s14], [sflag:s28] =	dma.local [spmem:s31], $0x2800  }
0xaf: {  	_ =	swait.ge [sflag:s17], $0x2800  }
0xb0: {  	[sflag:s17] =	ssyncset.done $0x0  }
0xb1: {  	[sflag:s17] =	ssyncadd.s32 $0xFFFFD800  }
0xb2: {  	_ =	sfence.sel $0x180000  }
0xb3: {  	[bflag:$0x0] =	sbarrier.arrive $0xFFFF  }
0xb4: {  	p0 =	sne.s32 s1, $0x0;
	_ =	strace $0x90000047  }
0xb5: {  	s0 =	sadd.s32 @!p0 $0x100000, s0;
	[bflag:$0x2] =	sbarrier.arrive $0xFFFF  }
0xb6: {  	[sflag:s0] =	ssyncadd.tile.s32 @!p0 $0x1;
	_ =	shalt  }
.Lfunc_end2:
_tile_overlayer_lowered:
.L_overlay_start_2:
0xb7: {  	(tag) =	ssettag $0x2  }
0xb8: {  	s0 =	rddreg [dreg:$0x0];
	s2 =	stileid.u32  }
0xb9: {  	s1 =	rddreg [dreg:$0x1];
	p0 =	sne.s32 s2, $0x0  }
0xba: {  	s3 =	rddreg [dreg:$0x2];
	[bflag:$0x3] =	sbarrier.arrive $0xFFFF;
	s2 =	simm.s32 @!p0 $0x1C05  }
0xbb: {  	[timem:s3], [sflag:s2] =	dma.local @!p0 [hbm:s0], s1  }
0xbc: {  	s0 =	simm.s32 @!p0 $0x5  }
0xbd: {  	_ =	swait.ge @!p0 [sflag:s0], s1  }
0xbe: {  	s1 =	ssub.s32 @!p0 $0x0, s1;
	[sflag:s0] =	ssyncset.done @!p0 $0x0  }
0xbf: {  	[sflag:s0] =	ssyncadd.s32 @!p0 s1  }
0xc0: {  	[bflag:$0x3] =	sbarrier.arrive $0xFFFF  }
0xc1: {  	_ =	shalt  }

</sc_bundles>
